<compile_context>
chip_gen: v7x
topology: tpu7x:2x2x1
jax: 0.10.2.dev20260603
libtpu: 0.0.44.dev20260713+nightly
codegen_flags: <defaults>
</compile_context>

<pallas_src>
import functools

import jax
import jax.numpy as jnp
from jax import lax
from jax.experimental import pallas as pl
from jax.experimental.pallas import tpu as pltpu
from jax.experimental.pallas import tpu_sc as plsc

N_NODES = 10000
DIM_IN = 256
DIM_OUT = 256
N_EDGES = 160000

NC = 2
NS = 16
NW = NC * NS
NP = 1

CH = 128
EPAD = ((N_EDGES + NW * CH - 1) // (NW * CH)) * (NW * CH)
K1C = EPAD // (NW * CH)
K3C = EPAD // (NS * CH)
NPAD = 10240
SLC = NPAD // NS
DH = DIM_OUT // (NC * NP)
NB = 10
BN = N_NODES // NB

_mesh = plsc.VectorSubcoreMesh(core_axis_name="c", subcore_axis_name="s")



@functools.partial(
    pl.kernel,
    mesh=_mesh,
    out_type=jax.ShapeDtypeStruct((NC, NS, SLC), jnp.float32),
    scratch_types=[
        pltpu.VMEM((CH,), jnp.float32),
        pltpu.VMEM((K1C, CH), jnp.int32),
        pltpu.VMEM_SHARED((NPAD,), jnp.float32),
    ],
)
def _deg_kernel(dst_hbm, zeros1_hbm, ones_hbm, deg_out, ones_v, dsti_v, deg_acc):
    c = lax.axis_index("c")
    s = lax.axis_index("s")
    wid = s * NC + c
    pltpu.sync_copy(zeros1_hbm, deg_acc.at[pl.ds(s * SLC, SLC)])
    pltpu.sync_copy(ones_hbm, ones_v)
    pltpu.sync_copy(dst_hbm.at[wid], dsti_v)
    plsc.subcore_barrier()

    def body(j, carry):
        pltpu.sync_copy(ones_v, deg_acc.at[dsti_v.at[j]], add=True)
        return carry

    lax.fori_loop(0, K1C, body, 0)
    plsc.subcore_barrier()
    pltpu.sync_copy(deg_acc.at[pl.ds(s * SLC, SLC)], deg_out.at[c].at[s])



@functools.partial(
    pl.kernel,
    mesh=_mesh,
    out_type=jax.ShapeDtypeStruct((NC, NP, NPAD, DH), jnp.float32),
    scratch_types=[
        pltpu.VMEM(((NP + 1) * K3C, CH), jnp.int32),
        pltpu.VMEM((CH, DH), jnp.float32),
        pltpu.VMEM((CH, DH), jnp.float32),
        pltpu.VMEM_SHARED((NPAD, DH), jnp.float32),
        pltpu.SemaphoreType.DMA,
        pltpu.SemaphoreType.DMA,
    ],
)
def _agg_kernel(hs_hbm, sd_hbm, zeros2_hbm, agg_out,
                sd_v, rows0_v, rows1_v, acc, sem0, sem1):
    c = lax.axis_index("c")
    s = lax.axis_index("s")
    pltpu.sync_copy(sd_hbm.at[c].at[s], sd_v)
    for t in range(NP):
        pltpu.sync_copy(zeros2_hbm, acc.at[pl.ds(s * SLC, SLC)])
        plsc.subcore_barrier()

        def body(j, carry, t=t):
            pltpu.async_copy(hs_hbm.at[sd_v.at[t * K3C + j]], rows0_v, sem0)
            pltpu.make_async_copy(
                hs_hbm.at[sd_v.at[t * K3C + j]], rows0_v, sem0).wait()
            pltpu.sync_copy(rows0_v, acc.at[sd_v.at[NP * K3C + j]], add=True)
            return carry

        lax.fori_loop(0, K3C, body, 0)
        plsc.subcore_barrier()
        pltpu.sync_copy(acc.at[pl.ds(s * SLC, SLC)],
                        agg_out.at[c].at[t].at[pl.ds(s * SLC, SLC)])
        plsc.subcore_barrier()



def _mm_body(x_ref, w_ref, deg_ref, hs_ref, dis_ref):
    h = jnp.dot(x_ref[...], w_ref[...], preferred_element_type=jnp.float32)
    deg = deg_ref[:, 0] + deg_ref[:, 1] + 1.0
    dis = lax.rsqrt(deg)
    hs = h * dis[:, None]
    for c in range(NC):
        for t in range(NP):
            q = c * NP + t
            hs_ref[c, t] = hs[:, q * DH:(q + 1) * DH]
    dis_ref[...] = dis[:, None]


def _mm(x, W, deg2):
    return pl.pallas_call(
        _mm_body,
        grid=(NB,),
        in_specs=[
            pl.BlockSpec((BN, DIM_IN), lambda i: (i, 0)),
            pl.BlockSpec((DIM_IN, DIM_OUT), lambda i: (0, 0)),
            pl.BlockSpec((BN, NC), lambda i: (i, 0)),
        ],
        out_specs=[
            pl.BlockSpec((NC, NP, BN, DH), lambda i: (0, 0, i, 0)),
            pl.BlockSpec((BN, 1), lambda i: (i, 0)),
        ],
        out_shape=[
            jax.ShapeDtypeStruct((NC, NP, N_NODES, DH), jnp.float32),
            jax.ShapeDtypeStruct((N_NODES, 1), jnp.float32),
        ],
    )(x, W, deg2)



def _ep_body(agg_ref, hs_ref, dis_ref, b_ref, out_ref):
    parts = [agg_ref[c, t] + hs_ref[c, t]
             for c in range(NC) for t in range(NP)]
    full = jnp.concatenate(parts, axis=1)
    out_ref[...] = full * dis_ref[...] + b_ref[...]


def _epilogue(agg, hs, dis, b2):
    return pl.pallas_call(
        _ep_body,
        grid=(NB,),
        in_specs=[
            pl.BlockSpec((NC, NP, BN, DH), lambda i: (0, 0, i, 0)),
            pl.BlockSpec((NC, NP, BN, DH), lambda i: (0, 0, i, 0)),
            pl.BlockSpec((BN, 1), lambda i: (i, 0)),
            pl.BlockSpec((1, DIM_OUT), lambda i: (0, 0)),
        ],
        out_specs=pl.BlockSpec((BN, DIM_OUT), lambda i: (i, 0)),
        out_shape=jax.ShapeDtypeStruct((N_NODES, DIM_OUT), jnp.float32),
    )(agg, hs, dis, b2)



def kernel(x, edge_index, W, b):
    ei = edge_index.astype(jnp.int32)
    src = ei[0]
    dst = ei[1]
    npadE = EPAD - N_EDGES
    src_p = jnp.concatenate([src, jnp.zeros((npadE,), jnp.int32)])
    dst_p = jnp.concatenate([dst, jnp.full((npadE,), N_NODES, jnp.int32)])
    dst_k1 = dst_p.reshape(NW, K1C, CH)
    srcs = jnp.stack([src_p + q * N_NODES for q in range(NC * NP)])
    srcs = srcs.reshape(NC, NP, NS, K3C, CH).transpose(0, 2, 1, 3, 4)
    srcs = srcs.reshape(NC, NS, NP * K3C, CH)
    dst_b = jnp.broadcast_to(dst_p.reshape(NS, K3C, CH)[None],
                             (NC, NS, K3C, CH))
    sd_k3 = jnp.concatenate([srcs, dst_b], axis=2)

    zeros1 = jnp.zeros((SLC,), jnp.float32)
    zeros2 = jnp.zeros((SLC, DH), jnp.float32)
    ones = jnp.ones((CH,), jnp.float32)

    deg_out = _deg_kernel(dst_k1, zeros1, ones)
    deg2 = deg_out.reshape(NC, NPAD)[:, :N_NODES].T

    hs, dis = _mm(x, W, deg2)

    hs_flat = hs.reshape(NC * NP * N_NODES, DH)
    agg = _agg_kernel(hs_flat, sd_k3, zeros2)

    return _epilogue(agg, hs, dis, b.reshape(1, DIM_OUT))

# --- scband reference (transcript-rebuilt; emitter-appended) ---
"""Pipeline reference for scband-gcn-10995116277795 (READ-ONLY COPY).

The authoritative reference and input builder live on the scoring server;
editing this copy changes nothing except your own understanding.
"""

import jax, jax.numpy as jnp
import numpy as np

N_NODES = 10000
N_EDGES = 160000
DIM_IN = 256
DIM_OUT = 256

def setup_inputs(seed: int = 0) -> dict:
    key = jax.random.key(seed)
    k1, k2, k3, k4 = jax.random.split(key, 4)
    x = jax.random.normal(k1, (N_NODES, DIM_IN), dtype=jnp.float32)
    edge_index = jax.random.randint(k2, (2, N_EDGES), 0, N_NODES, dtype=jnp.int64)
    # GCNConv learned parameters (glorot-style init for W, zeros for bias)
    scale = 1.0 / np.sqrt(DIM_IN)
    W = jax.random.uniform(k3, (DIM_IN, DIM_OUT), dtype=jnp.float32, minval=-scale, maxval=scale)
    b = jnp.zeros((DIM_OUT,), dtype=jnp.float32)
    return {"x": x, "edge_index": edge_index, "W": W, "b": b}

def reference(x, edge_index, W, b):
    # Faithful GCNConv: add self-loops, symmetric normalization D^-1/2 (A+I) D^-1/2,
    # linear transform, scatter-add aggregation to destination nodes, bias.
    N = x.shape[0]
    src = edge_index[0]
    dst = edge_index[1]
    loop = jnp.arange(N, dtype=edge_index.dtype)
    src = jnp.concatenate([src, loop])
    dst = jnp.concatenate([dst, loop])
    # degree computed over destination nodes (edge_weight = 1)
    deg = jnp.zeros((N,), dtype=jnp.float32).at[dst].add(1.0)
    deg_inv_sqrt = jnp.where(deg > 0, 1.0 / jnp.sqrt(deg), 0.0)
    norm = deg_inv_sqrt[src] * deg_inv_sqrt[dst]
    h = x @ W
    msg = h[src] * norm[:, None]
    out = jax.ops.segment_sum(msg, dst, num_segments=N)
    out = out + b
    return out

if __name__ == "__main__":
    import jax
    _d = setup_inputs()
    print(jax.jit(kernel)(*tuple(_d.values())))

</pallas_src>

<mosaic_0001>
#map = affine_map<(d0, d1) -> (0, 0, 0)>
#map1 = affine_map<(d0, d1) -> (0)>
module attributes {stable_mosaic.version = 14 : i64} {
  func.func @_deg_kernel(%arg0: i32, %arg1: i32, %arg2: memref<32x40x128xi32, #tpu.memory_space<hbm>>, %arg3: memref<640xf32, #tpu.memory_space<hbm>>, %arg4: memref<128xf32, #tpu.memory_space<hbm>>, %arg5: memref<2x16x640xf32, #tpu.memory_space<hbm>>, %arg6: memref<128xf32, #tpu.memory_space<vmem>>, %arg7: memref<40x128xi32, #tpu.memory_space<vmem>>, %arg8: memref<10240xf32, #tpu.memory_space<vmem_shared>>) attributes {dimension_semantics = [#tpu.dimension_semantics<core_parallel>, #tpu.dimension_semantics<subcore_parallel>], iteration_bounds = array<i64: 2, 16>, scalar_prefetch = 0 : i64, scratch_operands = 3 : i64, tpu.core_type = #tpu.core_type<sc_vector_subcore>, window_params = [{transform_indices = #map}, {transform_indices = #map1}, {transform_indices = #map1}, {transform_indices = #map}]} {
    %mul3A = arith.constant 2 : i32
    %mul3A_0 = arith.muli %arg1, %mul3A : i32
    %add3A = arith.addi %mul3A_0, %arg0 : i32
    %mul3A_1 = arith.constant 640 : i32
    %mul3A_2 = arith.muli %arg1, %mul3A_1 : i32
    "tpu.region"() ({
      %run_scoped3A = tpu.sem_alloc : memref<!tpu.dma_semaphore, #tpu.memory_space<semaphore_mem>>
      %dma_start3A = tpu.memref_slice %arg8[%mul3A_2] : memref<10240xf32, #tpu.memory_space<vmem_shared>> -> memref<640xf32, #tpu.memory_space<vmem_shared>>
      tpu.enqueue_dma source(%arg3 : memref<640xf32, #tpu.memory_space<hbm>>) target(%dma_start3A : memref<640xf32, #tpu.memory_space<vmem_shared>>) target_semaphore(%run_scoped3A : memref<!tpu.dma_semaphore, #tpu.memory_space<semaphore_mem>>)
      %dma_wait3A = tpu.memref_slice %arg8[%mul3A_2] : memref<10240xf32, #tpu.memory_space<vmem_shared>> -> memref<640xf32, #tpu.memory_space<vmem_shared>>
      tpu.wait_dma2 semaphore(%run_scoped3A : memref<!tpu.dma_semaphore, #tpu.memory_space<semaphore_mem>>) src(%arg3 : memref<640xf32, #tpu.memory_space<hbm>>) dst(%dma_wait3A : memref<640xf32, #tpu.memory_space<vmem_shared>>)
      tpu.yield
    }) : () -> ()
    "tpu.region"() ({
      %run_scoped3A = tpu.sem_alloc : memref<!tpu.dma_semaphore, #tpu.memory_space<semaphore_mem>>
      tpu.enqueue_dma source(%arg4 : memref<128xf32, #tpu.memory_space<hbm>>) target(%arg6 : memref<128xf32, #tpu.memory_space<vmem>>) target_semaphore(%run_scoped3A : memref<!tpu.dma_semaphore, #tpu.memory_space<semaphore_mem>>)
      tpu.wait_dma2 semaphore(%run_scoped3A : memref<!tpu.dma_semaphore, #tpu.memory_space<semaphore_mem>>) src(%arg4 : memref<128xf32, #tpu.memory_space<hbm>>) dst(%arg6 : memref<128xf32, #tpu.memory_space<vmem>>)
      tpu.yield
    }) : () -> ()
    "tpu.region"() ({
      %run_scoped3A = tpu.sem_alloc : memref<!tpu.dma_semaphore, #tpu.memory_space<semaphore_mem>>
      %dma_start3A = arith.constant 0 : i32
      %dma_start3A_11 = arith.constant 0 : i32
      %dma_start3A_12 = tpu.memref_slice %arg2[%add3A, %dma_start3A, %dma_start3A_11] : memref<32x40x128xi32, #tpu.memory_space<hbm>> -> memref<1x40x128xi32, #tpu.memory_space<hbm>>
      %dma_start3A_13 = tpu.memref_squeeze %dma_start3A_12 : memref<1x40x128xi32, #tpu.memory_space<hbm>> -> memref<40x128xi32, #tpu.memory_space<hbm>>
      %dma_start3A_14 = arith.constant 0 : i32
      %dma_start3A_15 = arith.constant 0 : i32
      %dma_start3A_16 = tpu.memref_slice %arg2[%add3A, %dma_start3A_14, %dma_start3A_15] : memref<32x40x128xi32, #tpu.memory_space<hbm>> -> memref<1x40x128xi32, #tpu.memory_space<hbm>>
      %dma_start3A_17 = tpu.memref_squeeze %dma_start3A_16 : memref<1x40x128xi32, #tpu.memory_space<hbm>> -> memref<40x128xi32, #tpu.memory_space<hbm>>
      tpu.enqueue_dma source(%dma_start3A_17 : memref<40x128xi32, #tpu.memory_space<hbm>>) target(%arg7 : memref<40x128xi32, #tpu.memory_space<vmem>>) target_semaphore(%run_scoped3A : memref<!tpu.dma_semaphore, #tpu.memory_space<semaphore_mem>>)
      %dma_wait3A = arith.constant 0 : i32
      %dma_wait3A_18 = arith.constant 0 : i32
      %dma_wait3A_19 = tpu.memref_slice %arg2[%add3A, %dma_wait3A, %dma_wait3A_18] : memref<32x40x128xi32, #tpu.memory_space<hbm>> -> memref<1x40x128xi32, #tpu.memory_space<hbm>>
      %dma_wait3A_20 = tpu.memref_squeeze %dma_wait3A_19 : memref<1x40x128xi32, #tpu.memory_space<hbm>> -> memref<40x128xi32, #tpu.memory_space<hbm>>
      %dma_wait3A_21 = arith.constant 0 : i32
      %dma_wait3A_22 = arith.constant 0 : i32
      %dma_wait3A_23 = tpu.memref_slice %arg2[%add3A, %dma_wait3A_21, %dma_wait3A_22] : memref<32x40x128xi32, #tpu.memory_space<hbm>> -> memref<1x40x128xi32, #tpu.memory_space<hbm>>
      %dma_wait3A_24 = tpu.memref_squeeze %dma_wait3A_23 : memref<1x40x128xi32, #tpu.memory_space<hbm>> -> memref<40x128xi32, #tpu.memory_space<hbm>>
      tpu.wait_dma2 semaphore(%run_scoped3A : memref<!tpu.dma_semaphore, #tpu.memory_space<semaphore_mem>>) src(%dma_wait3A_24 : memref<40x128xi32, #tpu.memory_space<hbm>>) dst(%arg7 : memref<40x128xi32, #tpu.memory_space<vmem>>)
      tpu.yield
    }) : () -> ()
    %barrier3A = arith.constant 0 : index
    tpu.barrier barrier_id(%barrier3A)
    %scan3A = arith.constant 0 : i32
    %scan3A_3 = arith.constant 0 : i32
    %scan3A_4 = arith.constant 40 : i32
    %scan3A_5 = arith.addi %scan3A_3, %scan3A_4 : i32
    %scan3A_6 = arith.constant 1 : i32
    scf.for %scan3A_11 = %scan3A_3 to %scan3A_5 step %scan3A_6  : i32 {
      "tpu.region"() ({
        %run_scoped3A = tpu.sem_alloc : memref<!tpu.dma_semaphore, #tpu.memory_space<semaphore_mem>>
        %dma_start3A = arith.constant 0 : i32
        %dma_start3A_12 = tpu.memref_slice %arg7[%scan3A_11, %dma_start3A] : memref<40x128xi32, #tpu.memory_space<vmem>> -> memref<1x128xi32, #tpu.memory_space<vmem>>
        %dma_start3A_13 = tpu.memref_squeeze %dma_start3A_12 : memref<1x128xi32, #tpu.memory_space<vmem>> -> memref<128xi32, #tpu.memory_space<vmem>>
        %dma_start3A_14 = arith.constant 0 : i32
        %dma_start3A_15 = tpu.memref_slice %arg8[%dma_start3A_14] : memref<10240xf32, #tpu.memory_space<vmem_shared>> -> memref<10240xf32, #tpu.memory_space<vmem_shared>>
        tpu.enqueue_indirect_dma source(%arg6 : memref<128xf32, #tpu.memory_space<vmem>>) target(%dma_start3A_15 : memref<10240xf32, #tpu.memory_space<vmem_shared>>) offsets(%dma_start3A_13 : memref<128xi32, #tpu.memory_space<vmem>>) semaphore(%run_scoped3A : memref<!tpu.dma_semaphore, #tpu.memory_space<semaphore_mem>>) {add = true}
        %dma_wait3A = arith.constant 0 : i32
        %dma_wait3A_16 = tpu.memref_slice %arg7[%scan3A_11, %dma_wait3A] : memref<40x128xi32, #tpu.memory_space<vmem>> -> memref<1x128xi32, #tpu.memory_space<vmem>>
        %dma_wait3A_17 = tpu.memref_squeeze %dma_wait3A_16 : memref<1x128xi32, #tpu.memory_space<vmem>> -> memref<128xi32, #tpu.memory_space<vmem>>
        %dma_wait3A_18 = arith.constant 0 : i32
        %dma_wait3A_19 = tpu.memref_slice %arg8[%dma_wait3A_18] : memref<10240xf32, #tpu.memory_space<vmem_shared>> -> memref<10240xf32, #tpu.memory_space<vmem_shared>>
        tpu.wait_indirect_dma semaphore(%run_scoped3A : memref<!tpu.dma_semaphore, #tpu.memory_space<semaphore_mem>>) src(%arg6 : memref<128xf32, #tpu.memory_space<vmem>>) dst(%dma_wait3A_19 : memref<10240xf32, #tpu.memory_space<vmem_shared>>)
        tpu.yield
      }) : () -> ()
    }
    %scan3A_7 = arith.constant 40 : i32
    %barrier3A_8 = arith.constant 0 : index
    tpu.barrier barrier_id(%barrier3A_8)
    %mul3A_9 = arith.constant 640 : i32
    %mul3A_10 = arith.muli %arg1, %mul3A_9 : i32
    "tpu.region"() ({
      %run_scoped3A = tpu.sem_alloc : memref<!tpu.dma_semaphore, #tpu.memory_space<semaphore_mem>>
      %dma_start3A = arith.constant 0 : i32
      %dma_start3A_11 = arith.constant 0 : i32
      %dma_start3A_12 = tpu.memref_slice %arg5[%arg0, %dma_start3A, %dma_start3A_11] : memref<2x16x640xf32, #tpu.memory_space<hbm>> -> memref<1x16x640xf32, #tpu.memory_space<hbm>>
      %dma_start3A_13 = tpu.memref_squeeze %dma_start3A_12 : memref<1x16x640xf32, #tpu.memory_space<hbm>> -> memref<16x640xf32, #tpu.memory_space<hbm>>
      %dma_start3A_14 = arith.constant 0 : i32
      %dma_start3A_15 = tpu.memref_slice %dma_start3A_13[%arg1, %dma_start3A_14] : memref<16x640xf32, #tpu.memory_space<hbm>> -> memref<1x640xf32, #tpu.memory_space<hbm>>
      %dma_start3A_16 = tpu.memref_squeeze %dma_start3A_15 : memref<1x640xf32, #tpu.memory_space<hbm>> -> memref<640xf32, #tpu.memory_space<hbm>>
      %dma_start3A_17 = tpu.memref_slice %arg8[%mul3A_10] : memref<10240xf32, #tpu.memory_space<vmem_shared>> -> memref<640xf32, #tpu.memory_space<vmem_shared>>
      tpu.enqueue_dma source(%dma_start3A_17 : memref<640xf32, #tpu.memory_space<vmem_shared>>) target(%dma_start3A_16 : memref<640xf32, #tpu.memory_space<hbm>>) target_semaphore(%run_scoped3A : memref<!tpu.dma_semaphore, #tpu.memory_space<semaphore_mem>>)
      %dma_wait3A = arith.constant 0 : i32
      %dma_wait3A_18 = arith.constant 0 : i32
      %dma_wait3A_19 = tpu.memref_slice %arg5[%arg0, %dma_wait3A, %dma_wait3A_18] : memref<2x16x640xf32, #tpu.memory_space<hbm>> -> memref<1x16x640xf32, #tpu.memory_space<hbm>>
      %dma_wait3A_20 = tpu.memref_squeeze %dma_wait3A_19 : memref<1x16x640xf32, #tpu.memory_space<hbm>> -> memref<16x640xf32, #tpu.memory_space<hbm>>
      %dma_wait3A_21 = arith.constant 0 : i32
      %dma_wait3A_22 = tpu.memref_slice %dma_wait3A_20[%arg1, %dma_wait3A_21] : memref<16x640xf32, #tpu.memory_space<hbm>> -> memref<1x640xf32, #tpu.memory_space<hbm>>
      %dma_wait3A_23 = tpu.memref_squeeze %dma_wait3A_22 : memref<1x640xf32, #tpu.memory_space<hbm>> -> memref<640xf32, #tpu.memory_space<hbm>>
      %dma_wait3A_24 = tpu.memref_slice %arg8[%mul3A_10] : memref<10240xf32, #tpu.memory_space<vmem_shared>> -> memref<640xf32, #tpu.memory_space<vmem_shared>>
      tpu.wait_dma2 semaphore(%run_scoped3A : memref<!tpu.dma_semaphore, #tpu.memory_space<semaphore_mem>>) src(%dma_wait3A_24 : memref<640xf32, #tpu.memory_space<vmem_shared>>) dst(%dma_wait3A_23 : memref<640xf32, #tpu.memory_space<hbm>>)
      tpu.yield
    }) : () -> ()
    return
  }
}

#map = affine_map<(d0, d1) -> (0, 0)>
#map1 = affine_map<(d0, d1) -> (0, 0, 0, 0)>
module attributes {stable_mosaic.version = 14 : i64} {
  func.func @_agg_kernel(%arg0: i32, %arg1: i32, %arg2: memref<20000x128xf32, #tpu.memory_space<hbm>>, %arg3: memref<2x16x160x128xi32, #tpu.memory_space<hbm>>, %arg4: memref<640x128xf32, #tpu.memory_space<hbm>>, %arg5: memref<2x1x10240x128xf32, #tpu.memory_space<hbm>>, %arg6: memref<160x128xi32, #tpu.memory_space<vmem>>, %arg7: memref<128x128xf32, #tpu.memory_space<vmem>>, %arg8: memref<128x128xf32, #tpu.memory_space<vmem>>, %arg9: memref<10240x128xf32, #tpu.memory_space<vmem_shared>>, %arg10: memref<!tpu.dma_semaphore, #tpu.memory_space<semaphore_mem>>, %arg11: memref<!tpu.dma_semaphore, #tpu.memory_space<semaphore_mem>>) attributes {dimension_semantics = [#tpu.dimension_semantics<core_parallel>, #tpu.dimension_semantics<subcore_parallel>], iteration_bounds = array<i64: 2, 16>, scalar_prefetch = 0 : i64, scratch_operands = 6 : i64, tpu.core_type = #tpu.core_type<sc_vector_subcore>, window_params = [{transform_indices = #map}, {transform_indices = #map1}, {transform_indices = #map}, {transform_indices = #map1}]} {
    "tpu.region"() ({
      %run_scoped3A_12 = tpu.sem_alloc : memref<!tpu.dma_semaphore, #tpu.memory_space<semaphore_mem>>
      %dma_start3A = arith.constant 0 : i32
      %dma_start3A_13 = arith.constant 0 : i32
      %dma_start3A_14 = arith.constant 0 : i32
      %dma_start3A_15 = tpu.memref_slice %arg3[%arg0, %dma_start3A, %dma_start3A_13, %dma_start3A_14] : memref<2x16x160x128xi32, #tpu.memory_space<hbm>> -> memref<1x16x160x128xi32, #tpu.memory_space<hbm>>
      %dma_start3A_16 = tpu.memref_squeeze %dma_start3A_15 : memref<1x16x160x128xi32, #tpu.memory_space<hbm>> -> memref<16x160x128xi32, #tpu.memory_space<hbm>>
      %dma_start3A_17 = arith.constant 0 : i32
      %dma_start3A_18 = arith.constant 0 : i32
      %dma_start3A_19 = tpu.memref_slice %dma_start3A_16[%arg1, %dma_start3A_17, %dma_start3A_18] : memref<16x160x128xi32, #tpu.memory_space<hbm>> -> memref<1x160x128xi32, #tpu.memory_space<hbm>>
      %dma_start3A_20 = tpu.memref_squeeze %dma_start3A_19 : memref<1x160x128xi32, #tpu.memory_space<hbm>> -> memref<160x128xi32, #tpu.memory_space<hbm>>
      %dma_start3A_21 = arith.constant 0 : i32
      %dma_start3A_22 = arith.constant 0 : i32
      %dma_start3A_23 = arith.constant 0 : i32
      %dma_start3A_24 = tpu.memref_slice %arg3[%arg0, %dma_start3A_21, %dma_start3A_22, %dma_start3A_23] : memref<2x16x160x128xi32, #tpu.memory_space<hbm>> -> memref<1x16x160x128xi32, #tpu.memory_space<hbm>>
      %dma_start3A_25 = tpu.memref_squeeze %dma_start3A_24 : memref<1x16x160x128xi32, #tpu.memory_space<hbm>> -> memref<16x160x128xi32, #tpu.memory_space<hbm>>
      %dma_start3A_26 = arith.constant 0 : i32
      %dma_start3A_27 = arith.constant 0 : i32
      %dma_start3A_28 = tpu.memref_slice %dma_start3A_25[%arg1, %dma_start3A_26, %dma_start3A_27] : memref<16x160x128xi32, #tpu.memory_space<hbm>> -> memref<1x160x128xi32, #tpu.memory_space<hbm>>
      %dma_start3A_29 = tpu.memref_squeeze %dma_start3A_28 : memref<1x160x128xi32, #tpu.memory_space<hbm>> -> memref<160x128xi32, #tpu.memory_space<hbm>>
      tpu.enqueue_dma source(%dma_start3A_29 : memref<160x128xi32, #tpu.memory_space<hbm>>) target(%arg6 : memref<160x128xi32, #tpu.memory_space<vmem>>) target_semaphore(%run_scoped3A_12 : memref<!tpu.dma_semaphore, #tpu.memory_space<semaphore_mem>>)
      %dma_wait3A = arith.constant 0 : i32
      %dma_wait3A_30 = arith.constant 0 : i32
      %dma_wait3A_31 = arith.constant 0 : i32
      %dma_wait3A_32 = tpu.memref_slice %arg3[%arg0, %dma_wait3A, %dma_wait3A_30, %dma_wait3A_31] : memref<2x16x160x128xi32, #tpu.memory_space<hbm>> -> memref<1x16x160x128xi32, #tpu.memory_space<hbm>>
      %dma_wait3A_33 = tpu.memref_squeeze %dma_wait3A_32 : memref<1x16x160x128xi32, #tpu.memory_space<hbm>> -> memref<16x160x128xi32, #tpu.memory_space<hbm>>
      %dma_wait3A_34 = arith.constant 0 : i32
      %dma_wait3A_35 = arith.constant 0 : i32
      %dma_wait3A_36 = tpu.memref_slice %dma_wait3A_33[%arg1, %dma_wait3A_34, %dma_wait3A_35] : memref<16x160x128xi32, #tpu.memory_space<hbm>> -> memref<1x160x128xi32, #tpu.memory_space<hbm>>
      %dma_wait3A_37 = tpu.memref_squeeze %dma_wait3A_36 : memref<1x160x128xi32, #tpu.memory_space<hbm>> -> memref<160x128xi32, #tpu.memory_space<hbm>>
      %dma_wait3A_38 = arith.constant 0 : i32
      %dma_wait3A_39 = arith.constant 0 : i32
      %dma_wait3A_40 = arith.constant 0 : i32
      %dma_wait3A_41 = tpu.memref_slice %arg3[%arg0, %dma_wait3A_38, %dma_wait3A_39, %dma_wait3A_40] : memref<2x16x160x128xi32, #tpu.memory_space<hbm>> -> memref<1x16x160x128xi32, #tpu.memory_space<hbm>>
      %dma_wait3A_42 = tpu.memref_squeeze %dma_wait3A_41 : memref<1x16x160x128xi32, #tpu.memory_space<hbm>> -> memref<16x160x128xi32, #tpu.memory_space<hbm>>
      %dma_wait3A_43 = arith.constant 0 : i32
      %dma_wait3A_44 = arith.constant 0 : i32
      %dma_wait3A_45 = tpu.memref_slice %dma_wait3A_42[%arg1, %dma_wait3A_43, %dma_wait3A_44] : memref<16x160x128xi32, #tpu.memory_space<hbm>> -> memref<1x160x128xi32, #tpu.memory_space<hbm>>
      %dma_wait3A_46 = tpu.memref_squeeze %dma_wait3A_45 : memref<1x160x128xi32, #tpu.memory_space<hbm>> -> memref<160x128xi32, #tpu.memory_space<hbm>>
      tpu.wait_dma2 semaphore(%run_scoped3A_12 : memref<!tpu.dma_semaphore, #tpu.memory_space<semaphore_mem>>) src(%dma_wait3A_46 : memref<160x128xi32, #tpu.memory_space<hbm>>) dst(%arg6 : memref<160x128xi32, #tpu.memory_space<vmem>>)
      tpu.yield
    }) : () -> ()
    %mul3A = arith.constant 640 : i32
    %mul3A_0 = arith.muli %arg1, %mul3A : i32
    "tpu.region"() ({
      %run_scoped3A_12 = tpu.sem_alloc : memref<!tpu.dma_semaphore, #tpu.memory_space<semaphore_mem>>
      %dma_start3A = arith.constant 0 : i32
      %dma_start3A_13 = tpu.memref_slice %arg9[%mul3A_0, %dma_start3A] : memref<10240x128xf32, #tpu.memory_space<vmem_shared>> -> memref<640x128xf32, #tpu.memory_space<vmem_shared>>
      tpu.enqueue_dma source(%arg4 : memref<640x128xf32, #tpu.memory_space<hbm>>) target(%dma_start3A_13 : memref<640x128xf32, #tpu.memory_space<vmem_shared>>) target_semaphore(%run_scoped3A_12 : memref<!tpu.dma_semaphore, #tpu.memory_space<semaphore_mem>>)
      %dma_wait3A = arith.constant 0 : i32
      %dma_wait3A_14 = tpu.memref_slice %arg9[%mul3A_0, %dma_wait3A] : memref<10240x128xf32, #tpu.memory_space<vmem_shared>> -> memref<640x128xf32, #tpu.memory_space<vmem_shared>>
      tpu.wait_dma2 semaphore(%run_scoped3A_12 : memref<!tpu.dma_semaphore, #tpu.memory_space<semaphore_mem>>) src(%arg4 : memref<640x128xf32, #tpu.memory_space<hbm>>) dst(%dma_wait3A_14 : memref<640x128xf32, #tpu.memory_space<vmem_shared>>)
      tpu.yield
    }) : () -> ()
    %barrier3A = arith.constant 0 : index
    tpu.barrier barrier_id(%barrier3A)
    %scan3A = arith.constant 0 : i32
    %scan3A_1 = arith.constant 0 : i32
    %scan3A_2 = arith.constant 80 : i32
    %scan3A_3 = arith.addi %scan3A_1, %scan3A_2 : i32
    %scan3A_4 = arith.constant 1 : i32
    scf.for %scan3A_12 = %scan3A_1 to %scan3A_3 step %scan3A_4  : i32 {
      %add3A = arith.constant 0 : i32
      %add3A_13 = arith.addi %add3A, %scan3A_12 : i32
      %dma_start3A = arith.constant 0 : i32
      %dma_start3A_14 = tpu.memref_slice %arg6[%add3A_13, %dma_start3A] : memref<160x128xi32, #tpu.memory_space<vmem>> -> memref<1x128xi32, #tpu.memory_space<vmem>>
      %dma_start3A_15 = tpu.memref_squeeze %dma_start3A_14 : memref<1x128xi32, #tpu.memory_space<vmem>> -> memref<128xi32, #tpu.memory_space<vmem>>
      %dma_start3A_16 = arith.constant 0 : i32
      %dma_start3A_17 = arith.constant 0 : i32
      %dma_start3A_18 = tpu.memref_slice %arg2[%dma_start3A_16, %dma_start3A_17] : memref<20000x128xf32, #tpu.memory_space<hbm>> -> memref<20000x128xf32, #tpu.memory_space<hbm>>
      tpu.enqueue_indirect_dma source(%dma_start3A_18 : memref<20000x128xf32, #tpu.memory_space<hbm>>) target(%arg7 : memref<128x128xf32, #tpu.memory_space<vmem>>) offsets(%dma_start3A_15 : memref<128xi32, #tpu.memory_space<vmem>>) semaphore(%arg10 : memref<!tpu.dma_semaphore, #tpu.memory_space<semaphore_mem>>)
      %add3A_19 = arith.constant 0 : i32
      %add3A_20 = arith.addi %add3A_19, %scan3A_12 : i32
      %dma_wait3A = arith.constant 0 : i32
      %dma_wait3A_21 = tpu.memref_slice %arg6[%add3A_20, %dma_wait3A] : memref<160x128xi32, #tpu.memory_space<vmem>> -> memref<1x128xi32, #tpu.memory_space<vmem>>
      %dma_wait3A_22 = tpu.memref_squeeze %dma_wait3A_21 : memref<1x128xi32, #tpu.memory_space<vmem>> -> memref<128xi32, #tpu.memory_space<vmem>>
      %dma_wait3A_23 = arith.constant 0 : i32
      %dma_wait3A_24 = arith.constant 0 : i32
      %dma_wait3A_25 = tpu.memref_slice %arg2[%dma_wait3A_23, %dma_wait3A_24] : memref<20000x128xf32, #tpu.memory_space<hbm>> -> memref<20000x128xf32, #tpu.memory_space<hbm>>
      tpu.wait_indirect_dma semaphore(%arg10 : memref<!tpu.dma_semaphore, #tpu.memory_space<semaphore_mem>>) src(%dma_wait3A_25 : memref<20000x128xf32, #tpu.memory_space<hbm>>) dst(%arg7 : memref<128x128xf32, #tpu.memory_space<vmem>>)
      %add3A_26 = arith.constant 80 : i32
      %add3A_27 = arith.addi %add3A_26, %scan3A_12 : i32
      "tpu.region"() ({
        %run_scoped3A_28 = tpu.sem_alloc : memref<!tpu.dma_semaphore, #tpu.memory_space<semaphore_mem>>
        %dma_start3A_29 = arith.constant 0 : i32
        %dma_start3A_30 = tpu.memref_slice %arg6[%add3A_27, %dma_start3A_29] : memref<160x128xi32, #tpu.memory_space<vmem>> -> memref<1x128xi32, #tpu.memory_space<vmem>>
        %dma_start3A_31 = tpu.memref_squeeze %dma_start3A_30 : memref<1x128xi32, #tpu.memory_space<vmem>> -> memref<128xi32, #tpu.memory_space<vmem>>
        %dma_start3A_32 = arith.constant 0 : i32
        %dma_start3A_33 = arith.constant 0 : i32
        %dma_start3A_34 = tpu.memref_slice %arg9[%dma_start3A_32, %dma_start3A_33] : memref<10240x128xf32, #tpu.memory_space<vmem_shared>> -> memref<10240x128xf32, #tpu.memory_space<vmem_shared>>
        tpu.enqueue_indirect_dma source(%arg7 : memref<128x128xf32, #tpu.memory_space<vmem>>) target(%dma_start3A_34 : memref<10240x128xf32, #tpu.memory_space<vmem_shared>>) offsets(%dma_start3A_31 : memref<128xi32, #tpu.memory_space<vmem>>) semaphore(%run_scoped3A_28 : memref<!tpu.dma_semaphore, #tpu.memory_space<semaphore_mem>>) {add = true}
        %dma_wait3A_35 = arith.constant 0 : i32
        %dma_wait3A_36 = tpu.memref_slice %arg6[%add3A_27, %dma_wait3A_35] : memref<160x128xi32, #tpu.memory_space<vmem>> -> memref<1x128xi32, #tpu.memory_space<vmem>>
        %dma_wait3A_37 = tpu.memref_squeeze %dma_wait3A_36 : memref<1x128xi32, #tpu.memory_space<vmem>> -> memref<128xi32, #tpu.memory_space<vmem>>
        %dma_wait3A_38 = arith.constant 0 : i32
        %dma_wait3A_39 = arith.constant 0 : i32
        %dma_wait3A_40 = tpu.memref_slice %arg9[%dma_wait3A_38, %dma_wait3A_39] : memref<10240x128xf32, #tpu.memory_space<vmem_shared>> -> memref<10240x128xf32, #tpu.memory_space<vmem_shared>>
        tpu.wait_indirect_dma semaphore(%run_scoped3A_28 : memref<!tpu.dma_semaphore, #tpu.memory_space<semaphore_mem>>) src(%arg7 : memref<128x128xf32, #tpu.memory_space<vmem>>) dst(%dma_wait3A_40 : memref<10240x128xf32, #tpu.memory_space<vmem_shared>>)
        tpu.yield
      }) : () -> ()
    }
    %scan3A_5 = arith.constant 80 : i32
    %barrier3A_6 = arith.constant 0 : index
    tpu.barrier barrier_id(%barrier3A_6)
    %mul3A_7 = arith.constant 640 : i32
    %mul3A_8 = arith.muli %arg1, %mul3A_7 : i32
    %mul3A_9 = arith.constant 640 : i32
    %mul3A_10 = arith.muli %arg1, %mul3A_9 : i32
    %run_scoped3A = arith.constant 0 : i32
    "tpu.region"() ({
      %run_scoped3A_12 = tpu.sem_alloc : memref<!tpu.dma_semaphore, #tpu.memory_space<semaphore_mem>>
      %dma_start3A = arith.constant 0 : i32
      %dma_start3A_13 = arith.constant 0 : i32
      %dma_start3A_14 = arith.constant 0 : i32
      %dma_start3A_15 = tpu.memref_slice %arg5[%arg0, %dma_start3A, %dma_start3A_13, %dma_start3A_14] : memref<2x1x10240x128xf32, #tpu.memory_space<hbm>> -> memref<1x1x10240x128xf32, #tpu.memory_space<hbm>>
      %dma_start3A_16 = tpu.memref_squeeze %dma_start3A_15 : memref<1x1x10240x128xf32, #tpu.memory_space<hbm>> -> memref<1x10240x128xf32, #tpu.memory_space<hbm>>
      %dma_start3A_17 = arith.constant 0 : i32
      %dma_start3A_18 = arith.constant 0 : i32
      %dma_start3A_19 = tpu.memref_slice %dma_start3A_16[%run_scoped3A, %dma_start3A_17, %dma_start3A_18] : memref<1x10240x128xf32, #tpu.memory_space<hbm>> -> memref<1x10240x128xf32, #tpu.memory_space<hbm>>
      %dma_start3A_20 = tpu.memref_squeeze %dma_start3A_19 : memref<1x10240x128xf32, #tpu.memory_space<hbm>> -> memref<10240x128xf32, #tpu.memory_space<hbm>>
      %dma_start3A_21 = arith.constant 0 : i32
      %dma_start3A_22 = tpu.memref_slice %dma_start3A_20[%mul3A_10, %dma_start3A_21] : memref<10240x128xf32, #tpu.memory_space<hbm>> -> memref<640x128xf32, #tpu.memory_space<hbm>>
      %dma_start3A_23 = arith.constant 0 : i32
      %dma_start3A_24 = tpu.memref_slice %arg9[%mul3A_8, %dma_start3A_23] : memref<10240x128xf32, #tpu.memory_space<vmem_shared>> -> memref<640x128xf32, #tpu.memory_space<vmem_shared>>
      tpu.enqueue_dma source(%dma_start3A_24 : memref<640x128xf32, #tpu.memory_space<vmem_shared>>) target(%dma_start3A_22 : memref<640x128xf32, #tpu.memory_space<hbm>>) target_semaphore(%run_scoped3A_12 : memref<!tpu.dma_semaphore, #tpu.memory_space<semaphore_mem>>)
      %dma_wait3A = arith.constant 0 : i32
      %dma_wait3A_25 = arith.constant 0 : i32
      %dma_wait3A_26 = arith.constant 0 : i32
      %dma_wait3A_27 = tpu.memref_slice %arg5[%arg0, %dma_wait3A, %dma_wait3A_25, %dma_wait3A_26] : memref<2x1x10240x128xf32, #tpu.memory_space<hbm>> -> memref<1x1x10240x128xf32, #tpu.memory_space<hbm>>
      %dma_wait3A_28 = tpu.memref_squeeze %dma_wait3A_27 : memref<1x1x10240x128xf32, #tpu.memory_space<hbm>> -> memref<1x10240x128xf32, #tpu.memory_space<hbm>>
      %dma_wait3A_29 = arith.constant 0 : i32
      %dma_wait3A_30 = arith.constant 0 : i32
      %dma_wait3A_31 = tpu.memref_slice %dma_wait3A_28[%run_scoped3A, %dma_wait3A_29, %dma_wait3A_30] : memref<1x10240x128xf32, #tpu.memory_space<hbm>> -> memref<1x10240x128xf32, #tpu.memory_space<hbm>>
      %dma_wait3A_32 = tpu.memref_squeeze %dma_wait3A_31 : memref<1x10240x128xf32, #tpu.memory_space<hbm>> -> memref<10240x128xf32, #tpu.memory_space<hbm>>
      %dma_wait3A_33 = arith.constant 0 : i32
      %dma_wait3A_34 = tpu.memref_slice %dma_wait3A_32[%mul3A_10, %dma_wait3A_33] : memref<10240x128xf32, #tpu.memory_space<hbm>> -> memref<640x128xf32, #tpu.memory_space<hbm>>
      %dma_wait3A_35 = arith.constant 0 : i32
      %dma_wait3A_36 = tpu.memref_slice %arg9[%mul3A_8, %dma_wait3A_35] : memref<10240x128xf32, #tpu.memory_space<vmem_shared>> -> memref<640x128xf32, #tpu.memory_space<vmem_shared>>
      tpu.wait_dma2 semaphore(%run_scoped3A_12 : memref<!tpu.dma_semaphore, #tpu.memory_space<semaphore_mem>>) src(%dma_wait3A_36 : memref<640x128xf32, #tpu.memory_space<vmem_shared>>) dst(%dma_wait3A_34 : memref<640x128xf32, #tpu.memory_space<hbm>>)
      tpu.yield
    }) : () -> ()
    %barrier3A_11 = arith.constant 0 : index
    tpu.barrier barrier_id(%barrier3A_11)
    return
  }
}

module attributes {stable_mosaic.version = 14 : i64} {
  func.func @_mm_body(%arg0: i32, %arg1: memref<1000x256xf32, #tpu.memory_space<vmem>>, %arg2: memref<256x256xf32, #tpu.memory_space<vmem>>, %arg3: memref<1000x2xf32, #tpu.memory_space<vmem>>, %arg4: memref<2x1x1000x128xf32, #tpu.memory_space<vmem>>, %arg5: memref<1000x1xf32, #tpu.memory_space<vmem>>) attributes {dimension_semantics = [#tpu.dimension_semantics<arbitrary>], iteration_bounds = array<i64: 10>, scalar_prefetch = 0 : i64, scratch_operands = 0 : i64, tpu.core_type = #tpu.core_type<tc>, window_params = [{transform_indices = @transform_0, window_bounds = array<i64: 1000, 256>}, {pipeline_mode = #tpu.pipeline_mode<synchronous>, transform_indices = @transform_1, window_bounds = array<i64: 256, 256>}, {transform_indices = @transform_2, window_bounds = array<i64: 1000, 2>}, {transform_indices = @transform_3, window_bounds = array<i64: 2, 1, 1000, 128>}, {transform_indices = @transform_4, window_bounds = array<i64: 1000, 1>}]} {
    %get3A = arith.constant 0 : index
    %get3A_0 = arith.constant 0 : index
    %get3A_1 = vector.load %arg1[%get3A, %get3A_0] : memref<1000x256xf32, #tpu.memory_space<vmem>>, vector<1000x256xf32>
    %get3A_2 = arith.constant 0 : index
    %get3A_3 = arith.constant 0 : index
    %get3A_4 = vector.load %arg2[%get3A_2, %get3A_3] : memref<256x256xf32, #tpu.memory_space<vmem>>, vector<256x256xf32>
    %dot_general3A = arith.constant dense<0.000000e+00> : vector<1000x256xf32>
    %dot_general3A_5 = tpu.matmul %get3A_1, %get3A_4, %dot_general3A {dimension_numbers = #tpu.dot_dimension_numbers<[1], [0], [0], [1], [0, 0, 1, 1], [], []>, transpose_lhs_hint = false} : vector<1000x256xf32>, vector<256x256xf32>, vector<1000x256xf32> -> vector<1000x256xf32>
    %get3A_6 = arith.constant 0 : index
    %get3A_7 = arith.constant 0 : index
    %get3A_8 = vector.load %arg3[%get3A_6, %get3A_7] : memref<1000x2xf32, #tpu.memory_space<vmem>>, vector<1000x1xf32>
    %get3A_9 = vector.shape_cast %get3A_8 : vector<1000x1xf32> to vector<1000xf32>
    %get3A_10 = arith.constant 0 : index
    %get3A_11 = arith.constant 1 : index
    %get3A_12 = vector.load %arg3[%get3A_10, %get3A_11] : memref<1000x2xf32, #tpu.memory_space<vmem>>, vector<1000x1xf32>
    %get3A_13 = vector.shape_cast %get3A_12 : vector<1000x1xf32> to vector<1000xf32>
    %add3A = arith.addf %get3A_9, %get3A_13 : vector<1000xf32>
    %add3A_14 = arith.constant 1.000000e+00 : f32
    %add3A_15 = vector.broadcast %add3A_14 : f32 to vector<1000xf32>
    %add3A_16 = arith.addf %add3A, %add3A_15 : vector<1000xf32>
    %rsqrt3A = math.rsqrt %add3A_16 : vector<1000xf32>
    %broadcast_in_dim3A = vector.shape_cast %rsqrt3A : vector<1000xf32> to vector<1000x1xf32>
    %mul3A = vector.broadcast %broadcast_in_dim3A : vector<1000x1xf32> to vector<1000x256xf32>
    %mul3A_17 = arith.mulf %dot_general3A_5, %mul3A : vector<1000x256xf32>
    %slice3A = vector.extract_strided_slice %mul3A_17 {offsets = [0, 0], sizes = [1000, 128], strides = [1, 1]} : vector<1000x256xf32> to vector<1000x128xf32>
    %swap3A = arith.constant 0 : index
    %swap3A_18 = arith.constant 0 : index
    %swap3A_19 = arith.constant 0 : index
    %swap3A_20 = arith.constant 0 : index
    %swap3A_21 = vector.load %arg4[%swap3A, %swap3A_18, %swap3A_19, %swap3A_20] : memref<2x1x1000x128xf32, #tpu.memory_space<vmem>>, vector<1x1x1000x128xf32>
    %swap3A_22 = vector.shape_cast %swap3A_21 : vector<1x1x1000x128xf32> to vector<1000x128xf32>
    %swap3A_23 = vector.shape_cast %slice3A : vector<1000x128xf32> to vector<1x1x1000x128xf32>
    tpu.vector_store %arg4[%swap3A, %swap3A_18, %swap3A_19, %swap3A_20], %swap3A_23 {strides = array<i32>} : memref<2x1x1000x128xf32, #tpu.memory_space<vmem>>, vector<1x1x1000x128xf32>,
    %slice3A_24 = vector.extract_strided_slice %mul3A_17 {offsets = [0, 128], sizes = [1000, 128], strides = [1, 1]} : vector<1000x256xf32> to vector<1000x128xf32>
    %swap3A_25 = arith.constant 1 : index
    %swap3A_26 = arith.constant 0 : index
    %swap3A_27 = arith.constant 0 : index
    %swap3A_28 = arith.constant 0 : index
    %swap3A_29 = vector.load %arg4[%swap3A_25, %swap3A_26, %swap3A_27, %swap3A_28] : memref<2x1x1000x128xf32, #tpu.memory_space<vmem>>, vector<1x1x1000x128xf32>
    %swap3A_30 = vector.shape_cast %swap3A_29 : vector<1x1x1000x128xf32> to vector<1000x128xf32>
    %swap3A_31 = vector.shape_cast %slice3A_24 : vector<1000x128xf32> to vector<1x1x1000x128xf32>
    tpu.vector_store %arg4[%swap3A_25, %swap3A_26, %swap3A_27, %swap3A_28], %swap3A_31 {strides = array<i32>} : memref<2x1x1000x128xf32, #tpu.memory_space<vmem>>, vector<1x1x1000x128xf32>,
    %broadcast_in_dim3A_32 = vector.shape_cast %rsqrt3A : vector<1000xf32> to vector<1000x1xf32>
    %swap3A_33 = arith.constant 0 : index
    %swap3A_34 = arith.constant 0 : index
    %swap3A_35 = vector.load %arg5[%swap3A_33, %swap3A_34] : memref<1000x1xf32, #tpu.memory_space<vmem>>, vector<1000x1xf32>
    tpu.vector_store %arg5[%swap3A_33, %swap3A_34], %broadcast_in_dim3A_32 {strides = array<i32>} : memref<1000x1xf32, #tpu.memory_space<vmem>>, vector<1000x1xf32>,
    return
  }
  func.func @transform_0(%arg0: i32) -> (i32, i32) {
    %c0_i32 = arith.constant 0 : i32
    %c0_i32_0 = arith.constant 0 : i32
    return %arg0, %c0_i32 : i32, i32
  }
  func.func @transform_1(%arg0: i32) -> (i32, i32) {
    %c0_i32 = arith.constant 0 : i32
    %c0_i32_0 = arith.constant 0 : i32
    %c0_i32_1 = arith.constant 0 : i32
    return %c0_i32, %c0_i32_0 : i32, i32
  }
  func.func @transform_2(%arg0: i32) -> (i32, i32) {
    %c0_i32 = arith.constant 0 : i32
    %c0_i32_0 = arith.constant 0 : i32
    return %arg0, %c0_i32 : i32, i32
  }
  func.func @transform_3(%arg0: i32) -> (i32, i32, i32, i32) {
    %c0_i32 = arith.constant 0 : i32
    %c0_i32_0 = arith.constant 0 : i32
    %c0_i32_1 = arith.constant 0 : i32
    %c0_i32_2 = arith.constant 0 : i32
    return %c0_i32, %c0_i32_0, %arg0, %c0_i32_1 : i32, i32, i32, i32
  }
  func.func @transform_4(%arg0: i32) -> (i32, i32) {
    %c0_i32 = arith.constant 0 : i32
    %c0_i32_0 = arith.constant 0 : i32
    return %arg0, %c0_i32 : i32, i32
  }
}

module attributes {stable_mosaic.version = 14 : i64} {
  func.func @_ep_body(%arg0: i32, %arg1: memref<2x1x1000x128xf32, #tpu.memory_space<vmem>>, %arg2: memref<2x1x1000x128xf32, #tpu.memory_space<vmem>>, %arg3: memref<1000x1xf32, #tpu.memory_space<vmem>>, %arg4: memref<1x256xf32, #tpu.memory_space<vmem>>, %arg5: memref<1000x256xf32, #tpu.memory_space<vmem>>) attributes {dimension_semantics = [#tpu.dimension_semantics<arbitrary>], iteration_bounds = array<i64: 10>, scalar_prefetch = 0 : i64, scratch_operands = 0 : i64, tpu.core_type = #tpu.core_type<tc>, window_params = [{transform_indices = @transform_0, window_bounds = array<i64: 2, 1, 1000, 128>}, {transform_indices = @transform_1, window_bounds = array<i64: 2, 1, 1000, 128>}, {transform_indices = @transform_2, window_bounds = array<i64: 1000, 1>}, {pipeline_mode = #tpu.pipeline_mode<synchronous>, transform_indices = @transform_3, window_bounds = array<i64: 1, 256>}, {transform_indices = @transform_4, window_bounds = array<i64: 1000, 256>}]} {
    %get3A = arith.constant 0 : index
    %get3A_0 = arith.constant 0 : index
    %get3A_1 = arith.constant 0 : index
    %get3A_2 = arith.constant 0 : index
    %get3A_3 = vector.load %arg1[%get3A, %get3A_0, %get3A_1, %get3A_2] : memref<2x1x1000x128xf32, #tpu.memory_space<vmem>>, vector<1x1x1000x128xf32>
    %get3A_4 = vector.shape_cast %get3A_3 : vector<1x1x1000x128xf32> to vector<1000x128xf32>
    %get3A_5 = arith.constant 0 : index
    %get3A_6 = arith.constant 0 : index
    %get3A_7 = arith.constant 0 : index
    %get3A_8 = arith.constant 0 : index
    %get3A_9 = vector.load %arg2[%get3A_5, %get3A_6, %get3A_7, %get3A_8] : memref<2x1x1000x128xf32, #tpu.memory_space<vmem>>, vector<1x1x1000x128xf32>
    %get3A_10 = vector.shape_cast %get3A_9 : vector<1x1x1000x128xf32> to vector<1000x128xf32>
    %add3A = arith.addf %get3A_4, %get3A_10 : vector<1000x128xf32>
    %get3A_11 = arith.constant 1 : index
    %get3A_12 = arith.constant 0 : index
    %get3A_13 = arith.constant 0 : index
    %get3A_14 = arith.constant 0 : index
    %get3A_15 = vector.load %arg1[%get3A_11, %get3A_12, %get3A_13, %get3A_14] : memref<2x1x1000x128xf32, #tpu.memory_space<vmem>>, vector<1x1x1000x128xf32>
    %get3A_16 = vector.shape_cast %get3A_15 : vector<1x1x1000x128xf32> to vector<1000x128xf32>
    %get3A_17 = arith.constant 1 : index
    %get3A_18 = arith.constant 0 : index
    %get3A_19 = arith.constant 0 : index
    %get3A_20 = arith.constant 0 : index
    %get3A_21 = vector.load %arg2[%get3A_17, %get3A_18, %get3A_19, %get3A_20] : memref<2x1x1000x128xf32, #tpu.memory_space<vmem>>, vector<1x1x1000x128xf32>
    %get3A_22 = vector.shape_cast %get3A_21 : vector<1x1x1000x128xf32> to vector<1000x128xf32>
    %add3A_23 = arith.addf %get3A_16, %get3A_22 : vector<1000x128xf32>
    %concatenate3A = tpu.concatenate %add3A, %add3A_23 in 1 : vector<1000x128xf32>, vector<1000x128xf32> -> vector<1000x256xf32>
    %get3A_24 = arith.constant 0 : index
    %get3A_25 = arith.constant 0 : index
    %get3A_26 = vector.load %arg3[%get3A_24, %get3A_25] : memref<1000x1xf32, #tpu.memory_space<vmem>>, vector<1000x1xf32>
    %mul3A = vector.broadcast %get3A_26 : vector<1000x1xf32> to vector<1000x256xf32>
    %mul3A_27 = arith.mulf %concatenate3A, %mul3A : vector<1000x256xf32>
    %get3A_28 = arith.constant 0 : index
    %get3A_29 = arith.constant 0 : index
    %get3A_30 = vector.load %arg4[%get3A_28, %get3A_29] : memref<1x256xf32, #tpu.memory_space<vmem>>, vector<1x256xf32>
    %add3A_31 = vector.broadcast %get3A_30 : vector<1x256xf32> to vector<1000x256xf32>
    %add3A_32 = arith.addf %mul3A_27, %add3A_31 : vector<1000x256xf32>
    %swap3A = arith.constant 0 : index
    %swap3A_33 = arith.constant 0 : index
    %swap3A_34 = vector.load %arg5[%swap3A, %swap3A_33] : memref<1000x256xf32, #tpu.memory_space<vmem>>, vector<1000x256xf32>
    tpu.vector_store %arg5[%swap3A, %swap3A_33], %add3A_32 {strides = array<i32>} : memref<1000x256xf32, #tpu.memory_space<vmem>>, vector<1000x256xf32>,
    return
  }
  func.func @transform_0(%arg0: i32) -> (i32, i32, i32, i32) {
    %c0_i32 = arith.constant 0 : i32
    %c0_i32_0 = arith.constant 0 : i32
    %c0_i32_1 = arith.constant 0 : i32
    %c0_i32_2 = arith.constant 0 : i32
    return %c0_i32, %c0_i32_0, %arg0, %c0_i32_1 : i32, i32, i32, i32
  }
  func.func @transform_1(%arg0: i32) -> (i32, i32, i32, i32) {
    %c0_i32 = arith.constant 0 : i32
    %c0_i32_0 = arith.constant 0 : i32
    %c0_i32_1 = arith.constant 0 : i32
    %c0_i32_2 = arith.constant 0 : i32
    return %c0_i32, %c0_i32_0, %arg0, %c0_i32_1 : i32, i32, i32, i32
  }
  func.func @transform_2(%arg0: i32) -> (i32, i32) {
    %c0_i32 = arith.constant 0 : i32
    %c0_i32_0 = arith.constant 0 : i32
    return %arg0, %c0_i32 : i32, i32
  }
  func.func @transform_3(%arg0: i32) -> (i32, i32) {
    %c0_i32 = arith.constant 0 : i32
    %c0_i32_0 = arith.constant 0 : i32
    %c0_i32_1 = arith.constant 0 : i32
    return %c0_i32, %c0_i32_0 : i32, i32
  }
  func.func @transform_4(%arg0: i32) -> (i32, i32) {
    %c0_i32 = arith.constant 0 : i32
    %c0_i32_0 = arith.constant 0 : i32
    return %arg0, %c0_i32 : i32, i32
  }
}

</mosaic_0001>

<sc_bundles>
// kernel: kernel.6.cloned.1.call-start
scs
__scs_entry_jumppad:
0x0: {  	(pc) =	sbr.rel $0x88, $3  }
0x1: {  	(tag) =	ssettag $0x0;
	lr =	simm.s32 $0x1  }
0x2: {  	[smem:$0x3F9D] =	sst lr;
	_ =	strace $0xD0000000  }
0x3: {  	_ = 	snop  }
0x4: {  	_ = 	snop  }
0x5: {  	_ = 	snop  }
0x6: {  	_ = 	snop  }
0x7: {  	_ = 	snop  }
__scs_overlays_trampoline_lowered:
0x8: {  	[smem:$0x3FAC] =	sst s0  }
0x9: {  	[smem:$0x3FAD] =	sst s1  }
0xa: {  	[smem:$0x3FAE] =	sst s2  }
0xb: {  	[smem:$0x3FAF] =	sst s3  }
0xc: {  	[smem:$0x3FB0] =	sst s4  }
0xd: {  	[smem:$0x3FB1] =	sst s5  }
0xe: {  	[smem:$0x3FB2] =	sst s6  }
0xf: {  	[smem:$0x3FB3] =	sst s7  }
0x10: {  	[smem:$0x3FB4] =	sst s8  }
0x11: {  	[smem:$0x3FB5] =	sst s9;
	s0 =	simm.s32 @!p0 $0x0  }
0x12: {  	s1 =	sld [smem:$0x3F9B];
	s0 =	simm.s32 @p0 $0x1  }
0x13: {  	[smem:$0x3FB6] =	sst s0;
	s0 =	simm.s32 @!p1 $0x0  }
0x14: {  	s2 =	sld [smem:$0x3F9A];
	s0 =	simm.s32 @p1 $0x1  }
0x15: {  	[smem:$0x3FB7] =	sst s0;
	s0 =	simm.s32 @!p2 $0x0  }
0x16: {  	s3 =	sld [smem:$0x3FDB];
	s0 =	simm.s32 @p2 $0x1  }
0x17: {  	s4 =	simm.s32 $0x1BF5;
	[smem:$0x3FB9] =	sst s0  }
0x18: {  	s0 =	sld [smem:$0x3F9C];
	_ =	swait.ge [sflag:s4], $0x0  }
0x19: {  	s7 =	sld [smem:$0x3F9D]  }
0x1a: {  	s8 =	sadd.s32 $0xFFFFE003, lr  }
0x1b: {  	s9 =	sadd.s32 $0xFFFFFEF7, lr;
	s5 =	simm.s32 $0xFFFFFFFF;
	p2 =	slt.u32 s8, $0xFFFFF086  }
0x1c: {  	p1 =	slt.u32 s9, $0xF7A;
	s5 =	simm.s32 @!p2 $0x0  }
0x1d: {  	s5 =	simm.s32 @p1 $0x1;
	p0 =	seq.s32 s7, s2  }
0x1e: {  	s7 =	smul.u32 @!p0 $0xF7A, s2;
	p2 =	seq.s32 @!p0 s5, $0x0  }
0x1f: {  	s9 =	smul.u32 $0xF7A, s1;
	s8 =	simm.s32 @!p0 $0x1BF5;
	p2 =	por !p2, p0  }
0x20: {  	[sflag:s8] =	ssyncset.s32 @!p0 $0xFFFFF086;
	s6 =	sadd.s32 @!p0 s3, s7;
	s7 =	simm.s32 @!p0 $0x108  }
0x21: {  	s3 =	sadd.s32 s3, s9;
	s6 =	sadd.s32 @!p0 $0x88, s6;
	s7 =	simm.s32 @p2 $0x1082  }
0x22: {  	[simem:s7], [sflag:s8] =	dma.local @!p0 [hbm:s6], $0xF7A  }
0x23: {  	s9 =	sor.u32 $0xD0000000, s2;
	s6 =	simm.s32 $0x108;
	_ =	swait.ge @!p0 [sflag:s8], $0x0  }
0x24: {  	s3 =	sadd.s32 $0x88, s3;
	s6 =	simm.s32 @!p1 $0x1082;
	[sflag:s4] =	ssyncset.s32 $0xFFFFF086  }
0x25: {  	[simem:s6], [sflag:s4] =	dma.local [hbm:s3], $0xF7A  }
0x26: {  	[smem:$0x3F9D] =	sst s1;
	(tag) =	ssettag s2;
	_ =	strace s9  }
0x27: {  	s1 =	sld [smem:$0x3FAD]  }
0x28: {  	s2 =	sld [smem:$0x3FAE]  }
0x29: {  	s4 =	sld [smem:$0x3FB0]  }
0x2a: {  	p0 =	seq.s32 s5, $0x0;
	s5 =	sld [smem:$0x3FB1]  }
0x2b: {  	s6 =	sld [smem:$0x3FB2]  }
0x2c: {  	s7 =	sld [smem:$0x3FB3]  }
0x2d: {  	s3 =	simm.s32 $0x108;
	s8 =	sld [smem:$0x3FB4]  }
0x2e: {  	s3 =	simm.s32 @!p0 $0x1082;
	s9 =	sld [smem:$0x3FB5]  }
0x2f: {  	lr =	sadd.s32 s0, s3;
	s0 =	sld [smem:$0x3FAC]  }
0x30: {  	s3 =	sld [smem:$0x3FAF]  }
0x31: {  	[smem:$0x3FB8] =	sst s10  }
0x32: {  	s10 =	sld [smem:$0x3FB6];
	_ =	sdelay $0x3  }
0x33: {  	p0 =	seq.s32 s10, $0x1;
	s10 =	sld [smem:$0x3FB8];
	_ =	sdelay $0x3  }
0x34: {  	[smem:$0x3FB8] =	sst s10  }
0x35: {  	s10 =	sld [smem:$0x3FB7];
	_ =	sdelay $0x3  }
0x36: {  	p1 =	seq.s32 s10, $0x1;
	s10 =	sld [smem:$0x3FB8];
	_ =	sdelay $0x3  }
0x37: {  	[smem:$0x3FB8] =	sst s10  }
0x38: {  	s10 =	sld [smem:$0x3FB9]  }
0x39: {  	_ = 	snop;
	(pc) =	sbr.ind lr, $3  }
0x3a: {  	_ = 	snop  }
0x3b: {  	_ = 	snop  }
0x3c: {  	p2 =	seq.s32 s10, $0x1;
	s10 =	sld [smem:$0x3FB8]  }
0x3d: {  	_ =	shalt  }
0x3e: {  	_ =	shalt  }
0x3f: {  	_ =	shalt  }
0x40: {  	_ =	shalt  }
0x41: {  	_ =	shalt  }
0x42: {  	_ =	shalt  }
0x43: {  	_ =	shalt  }
0x44: {  	_ =	shalt  }
0x45: {  	_ =	shalt  }
0x46: {  	_ =	shalt  }
0x47: {  	_ =	shalt  }
0x48: {  	_ =	shalt  }
0x49: {  	_ =	shalt  }
0x4a: {  	_ =	shalt  }
0x4b: {  	_ =	shalt  }
0x4c: {  	_ =	shalt  }
0x4d: {  	_ =	shalt  }
0x4e: {  	_ =	shalt  }
0x4f: {  	_ =	shalt  }
0x50: {  	_ =	shalt  }
0x51: {  	_ =	shalt  }
0x52: {  	_ =	shalt  }
0x53: {  	_ =	shalt  }
0x54: {  	_ =	shalt  }
0x55: {  	_ =	shalt  }
0x56: {  	_ =	shalt  }
0x57: {  	_ =	shalt  }
0x58: {  	_ =	shalt  }
0x59: {  	_ =	shalt  }
0x5a: {  	_ =	shalt  }
0x5b: {  	_ =	shalt  }
0x5c: {  	_ =	shalt  }
0x5d: {  	_ =	shalt  }
0x5e: {  	_ =	shalt  }
0x5f: {  	_ =	shalt  }
0x60: {  	_ =	shalt  }
0x61: {  	_ =	shalt  }
0x62: {  	_ =	shalt  }
0x63: {  	_ =	shalt  }
0x64: {  	_ =	shalt  }
0x65: {  	_ =	shalt  }
0x66: {  	_ =	shalt  }
0x67: {  	_ =	shalt  }
0x68: {  	_ =	shalt  }
0x69: {  	_ =	shalt  }
0x6a: {  	_ =	shalt  }
0x6b: {  	_ =	shalt  }
0x6c: {  	_ =	shalt  }
0x6d: {  	_ =	shalt  }
0x6e: {  	_ =	shalt  }
0x6f: {  	_ =	shalt  }
0x70: {  	_ =	shalt  }
0x71: {  	_ =	shalt  }
0x72: {  	_ =	shalt  }
0x73: {  	_ =	shalt  }
0x74: {  	_ =	shalt  }
0x75: {  	_ =	shalt  }
0x76: {  	_ =	shalt  }
0x77: {  	_ =	shalt  }
0x78: {  	_ =	shalt  }
0x79: {  	_ =	shalt  }
0x7a: {  	_ =	shalt  }
0x7b: {  	_ =	shalt  }
0x7c: {  	_ =	shalt  }
0x7d: {  	_ =	shalt  }
0x7e: {  	_ =	shalt  }
0x7f: {  	_ =	shalt  }
0x80: {  	_ =	shalt  }
0x81: {  	_ =	shalt  }
0x82: {  	_ =	shalt  }
0x83: {  	_ =	shalt  }
0x84: {  	_ =	shalt  }
0x85: {  	_ =	shalt  }
0x86: {  	_ =	shalt  }
0x87: {  	_ =	shalt  }
.Lfunc_end0:
.L_simem_size_0:
called_computation_lowered:
.L_overlay_start_0:
0x88: {  	s2 =	sld [smem:$0x3FD9]  }
0x89: {  	s3 =	sld [smem:$0x3FFE];
	_ =	sdelay $0x1  }
0x8a: {  	s1 =	srdreg.scid  }
0x8b: {  	s0 =	sand.u32 $0x1, s1  }
0x8c: {  	s17 =	sshll.u32 s0, $0xA;
	s2 =	sadd.s32 s3, s2  }
0x8d: {  	s2 =	sadd.s32 s2, s17  }
0x8e: {  	[smem:$0x3FC4] =	sst s2  }
0x8f: {  	_ = 	snop  }
0x90: {  	s2 =	sld [smem:$0x3FD0];
	(tm) =	ssettm $0x1  }
0x91: {  	s18 =	sld [smem:$0x3FFB];
	_ =	sdelay $0x3  }
0x92: {  	_ =	strace s18  }
0x93: {  	s3 =	sld [smem:$0x3FFC];
	_ =	sdelay $0x3  }
0x94: {  	_ =	strace s3  }
0x95: {  	s3 =	sld [smem:$0x3FFD];
	_ =	sdelay $0x3  }
0x96: {  	_ =	strace s3  }
0x97: {  	_ =	strace $0x8FFFFFFF  }
0x98: {  	s19 =	sld [smem:$0x3FDB];
	_ =	sdelay $0x1  }
0x99: {  	s4 =	simm.s32 $_scs_section_size  }
0x9a: {  	s5 =	simm.s32 $_size__tile_overlayer_lowered;
	s6 =	simm.s32 $_tile_overlayer_lowered  }
0x9b: {  	s22 =	simm.s32 $0x1BFF;
	s21 =	sshll.u32 s6, $0x1;
	s3 =	sadd.s32 s4, s19  }
0x9c: {  	s7 =	simm.s32 $0x0;
	s20 =	sshll.u32 s5, $0x1;
	s5 =	sadd.s32 s21, s3  }
0x9d: {  	[timem:s7], [sflag:s22] =	dma.local [hbm:s5], s20  }
0x9e: {  	_ =	swait.ge [sflag:s22], s20  }
0x9f: {  	s4 =	ssub.s32 $0x0, s20;
	[sflag:s22] =	ssyncset.done $0x0  }
0xa0: {  	[sflag:s22] =	ssyncadd.s32 s4;
	_ =	sdelay $0x1  }
0xa1: {  	s23 =	simm.s32 $0x1B8B  }
0xa2: {  	_ =	swait.ge [sflag:s23], $0x1  }
0xa3: {  	[sflag:s23] =	ssyncset.done $0x0  }
0xa4: {  	s25 =	simm.s32 $0x1B8E;
	s24 =	sld [smem:$0x3FFE];
	[sflag:s23] =	ssyncadd.s32 $0xFFFFFFFF  }
0xa5: {  	s26 =	simm.s32 $execute0_lowered;
	[smem:$0x3FD2] =	sst s25  }
0xa6: {  	s5 =	sshll.u32 s26, $0x1;
	_ =	strace $0x80000046;
	[dreg:$0x1] =	wrdreg $0xFFFFFFFF  }
0xa7: {  	s28 =	simm.s32 $_size_execute0_lowered;
	s3 =	sadd.s32 s3, s5;
	[dreg:$0x0] =	wrdreg $0x0  }
0xa8: {  	s5 =	sshll.u32 s28, $0x1;
	[dreg:$0x2] =	wrdreg s3  }
0xa9: {  	[dreg:$0x3] =	wrdreg s5  }
0xaa: {  	[dreg:$0x4] =	wrdreg $0xC0  }
0xab: {  	_ =	task [dreg:s7], $0x5FFFF  }
0xac: {  	[dreg:$0x1] =	wrdreg $0xFFFFFFFF  }
0xad: {  	[dreg:$0x0] =	wrdreg $0x60  }
0xae: {  	[dreg:$0x2] =	wrdreg s2  }
0xaf: {  	[dreg:$0x3] =	wrdreg s24  }
0xb0: {  	[dreg:$0x4] =	wrdreg $0x14800  }
0xb1: {  	[dreg:$0x5] =	wrdreg $0x9  }
0xb2: {  	_ =	task.clear_ibuf [dreg:s7], $0x6FFFF;
	_ =	strace $0x90000046  }
0xb3: {  	s29 =	simm.s32 $0x9;
	_ =	strace $0x80000048  }
0xb4: {  	_ =	swait.ge [sflag:s29], $0x1  }
0xb5: {  	[sflag:s29] =	ssyncadd.s32 $0xFFFFFFFF  }
0xb6: {  	_ =	strace $0x90000048  }
0xb7: {  	_ =	sfence  }
0xb8: {  	s30 =	sld [smem:$0x0];
	_ =	sdelay $0x2  }
0xb9: {  	s31 =	sshll.u32 s1, $0xD;
	s1 =	sshrl.u32 s1, $0x2  }
0xba: {  	s3 =	sand.u32 $0x4000, s31;
	s1 =	sadd.s32 s1, s30  }
0xbb: {  	s0 =	sor.u32 s3, s0;
	s1 =	sshll.u32 s1, $0x11  }
0xbc: {  	s0 =	sor.u32 s1, s0  }
0xbd: {  	s0 =	sadd.s32 $0x8F2B, s0  }
0xbe: {  	[sflag:s0] =	ssyncadd.remote.s32 $0x1  }
0xbf: {  	_ =	sfence.sel $0xFFFF  }
0xc0: {  	[dreg:$0x0] =	wrdreg $0xFFFFFFFF;
	(pc) =	sbr.abs _section_cstart, $3  }
0xc1: {  	[dreg:$0x1] =	wrdreg $0xFFFFFFFF  }
0xc2: {  	_ =	task.clear_ibuf [dreg:s7], $0x2FFFF;
	_ =	strace $0x9FFFFFFF  }
0xc3: {  	(tm) =	ssettm $0x7FFFFFFF  }
tec
execute0_lowered:
.L_overlay_start_1:
0x0: {  	(tag) =	ssettag $0x1  }
0x1: {  	s7 =	rddreg [dreg:$0x0]  }
0x2: {  	s6 =	rddreg [dreg:$0x1]  }
0x3: {  	s1 =	rddreg [dreg:$0x2]  }
0x4: {  	s0 =	rddreg [dreg:$0x3];
	s2 =	simm.s32 $0x0  }
0x5: {  	s3 =	srdreg.scid;
	[smem:$0x7FF] =	sst s2  }
0x6: {  	s8 =	sand.u32 $0x1, s3;
	s4 =	sadd.s32 $0x1A00, s6;
	s5 =	sadd.s32 $0x1800, s6  }
0x7: {  	s3 =	stileid.u32;
	_ =	strace $0x80000047;
	s9 =	smul.u32 $0x500, s8  }
0x8: {  	s22 =	ssub.s32 $0x2, s8;
	s10 =	sshll.u32 s3, $0x1;
	s12 =	smul.u32 $0xA00, s3  }
0x9: {  	s24 =	sshrl.u32 s3, $0x3;
	s28 =	sshll.u32 s3, $0x7;
	s13 =	sshll.u32 s3, $0x6  }
0xa: {  	s11 =	sshrl.u32 s22, $0x1;
	s8 =	sor.u32 s8, s10;
	s26 =	smul.u32 $0x1400, s24  }
0xb: {  	s14 =	sand.u32 $0x380, s28;
	s10 =	simm.s32 $0x1;
	s9 =	sadd.s32 s9, s6  }
0xc: {  	s23 =	ssub.s32 s22, s11;
	s8 =	smul.u32 $0x280, s8;
	s25 =	sshrl.u32 s12, $0x2  }
0xd: {  	s6 =	sor.u32 $0x1C01, s13;
	s13 =	simm.s32 $0x10;
	s11 =	sadd.s32 s25, s1  }
0xe: {  	s29 =	sor.u32 s14, s26;
	s30 =	sadd.s32 $0x1C00, s9;
	s14 =	simm.s32 $0x0  }
0xf: {  	s7 =	sadd.s32 s7, s8;
	s31 =	sshrl.u32 s29, $0x3;
	s8 =	smax.u32 s23, $0x1  }
0x10: {  	s9 =	sshrl.u32 s11, $0x3;
	s11 =	simm.s32 $0x80;
	s12 =	sadd.s32 s31, s30  }
.LBB2_1:
0x11: {  	[spmem:s9], [sflag:s6] =	dma.local [hbm:s4], $0x50  }
0x12: {  	_ =	swait.ge [sflag:s10], $0x50  }
0x13: {  	[sflag:s10] =	ssyncset.done $0x0  }
0x14: {  	[sflag:s10] =	ssyncadd.s32 $0xFFFFFFB0  }
0x15: {  	[tilespmem:s2], [sflag:$0x1] =	stream.linear.gather [hbm4b:s5+s2], $0x80, $0x38;
	[tilespmem:$0x1700] =	vst v63  }
0x16: {  	_ =	swait.ge [sflag:s10], $0x80  }
0x17: {  	[sflag:s10] =	ssyncset.done $0x0  }
0x18: {  	[sflag:s10] =	ssyncadd.s32 $0xFFFFFF80  }
0x19: {  	[tilespmem:s11], [sflag:$0x1] =	stream.linear.gather [hbm4b:s7+s2], $0x1400, $0x38;
	[tilespmem:$0x1700] =	vst v63  }
0x1a: {  	_ =	swait.ge [sflag:s10], $0x1400  }
0x1b: {  	[sflag:s10] =	ssyncset.done $0x0  }
0x1c: {  	[sflag:s10] =	ssyncadd.s32 $0xFFFFEC00  }
0x1d: {  	s15 =	simm.s32 $0x80;
	[bflag:$0x0] =	sbarrier.arrive $0xFFFF  }
0x1e: {  	[spmem:s1] =	stream.indirect.scatter.add.f32 [tilespmem:s2], [sflag:$0x1], $0x1, s15, s11, $0xb8;
	[tilespmem:$0x1700] =	vst v63  }
0x1f: {  	s15 =	simm.s32 $0x200;
	_ =	swait.ge [sflag:s10], $0x80  }
.LBB2_2:
0x20: {  	s16 =	sshra.s32 s15, $0x2;
	[sflag:s10] =	ssyncset.done $0x0;
	p0 =	sne.s32 s15, $0x4E00  }
.Ltmp0:
0x21: {  	s16 =	sadd.s32 $0x80, s16;
	[sflag:s10] =	ssyncadd.s32 $0xFFFFFF80;
	(pc) =	sbr.rel @p0 .LBB2_2-.Ltmp0, $3  }
0x22: {  	[spmem:s1] =	stream.indirect.scatter.add.f32 [tilespmem:s2], [sflag:$0x1], $0x1, s16, s11, $0xb8;
	[tilespmem:$0x1700] =	vst v63  }
0x23: {  	s15 =	sadd.s32 $0x200, s15;
	_ =	sdelay $0x1  }
0x24: {  	_ =	swait.ge [sflag:s10], $0x80  }
0x25: {  	[sflag:s10] =	ssyncset.done $0x0;
	s14 =	sadd.s32 $0x1, s14  }
0x26: {  	[sflag:s10] =	ssyncadd.s32 $0xFFFFFF80;
	p0 =	sne.s32 s14, s8  }
.Ltmp1:
0x27: {  	[bflag:$0x0] =	sbarrier.arrive $0xFFFF;
	(pc) =	sbr.rel @p0 .LBB2_1-.Ltmp1, $4  }
0x28: {  	[hbm:s12@s11], [sflag:s6] =	dma.strided [spmem:s9@s13], $0x50, s10, $0x10   }
0x29: {  	_ =	swait.ge [sflag:s10], $0x50  }
0x2a: {  	[sflag:s10] =	ssyncset.done $0x0  }
0x2b: {  	[sflag:s10] =	ssyncadd.s32 $0xFFFFFFB0  }
0x2c: {  	_ =	sfence.sel $0x180000  }
0x2d: {  	[bflag:$0x0] =	sbarrier.arrive $0xFFFF  }
0x2e: {  	p0 =	sne.s32 s3, $0x0;
	_ =	strace $0x90000047  }
0x2f: {  	s0 =	sadd.s32 @!p0 $0x100000, s0;
	[bflag:$0x2] =	sbarrier.arrive $0xFFFF  }
0x30: {  	[sflag:s0] =	ssyncadd.tile.s32 @!p0 $0x1;
	_ =	shalt  }
.Lfunc_end2:
_tile_overlayer_lowered:
.L_overlay_start_2:
0x31: {  	(tag) =	ssettag $0x2  }
0x32: {  	s0 =	rddreg [dreg:$0x0];
	s2 =	stileid.u32  }
0x33: {  	s1 =	rddreg [dreg:$0x1];
	p0 =	sne.s32 s2, $0x0  }
0x34: {  	s3 =	rddreg [dreg:$0x2];
	[bflag:$0x3] =	sbarrier.arrive $0xFFFF;
	s2 =	simm.s32 @!p0 $0x1C01  }
0x35: {  	[timem:s3], [sflag:s2] =	dma.local @!p0 [hbm:s0], s1  }
0x36: {  	s0 =	simm.s32 @!p0 $0x1  }
0x37: {  	_ =	swait.ge @!p0 [sflag:s0], s1  }
0x38: {  	s1 =	ssub.s32 @!p0 $0x0, s1;
	[sflag:s0] =	ssyncset.done @!p0 $0x0  }
0x39: {  	[sflag:s0] =	ssyncadd.s32 @!p0 s1  }
0x3a: {  	[bflag:$0x3] =	sbarrier.arrive $0xFFFF  }
0x3b: {  	_ =	shalt  }

// kernel: kernel.9.cloned.1.call-start
scs
__scs_entry_jumppad:
0x0: {  	(pc) =	sbr.rel $0x88, $3  }
0x1: {  	(tag) =	ssettag $0x0;
	lr =	simm.s32 $0x1  }
0x2: {  	[smem:$0x3F9D] =	sst lr;
	_ =	strace $0xD0000000  }
0x3: {  	_ = 	snop  }
0x4: {  	_ = 	snop  }
0x5: {  	_ = 	snop  }
0x6: {  	_ = 	snop  }
0x7: {  	_ = 	snop  }
__scs_overlays_trampoline_lowered:
0x8: {  	[smem:$0x3FAC] =	sst s0  }
0x9: {  	[smem:$0x3FAD] =	sst s1  }
0xa: {  	[smem:$0x3FAE] =	sst s2  }
0xb: {  	[smem:$0x3FAF] =	sst s3  }
0xc: {  	[smem:$0x3FB0] =	sst s4  }
0xd: {  	[smem:$0x3FB1] =	sst s5  }
0xe: {  	[smem:$0x3FB2] =	sst s6  }
0xf: {  	[smem:$0x3FB3] =	sst s7  }
0x10: {  	[smem:$0x3FB4] =	sst s8  }
0x11: {  	[smem:$0x3FB5] =	sst s9;
	s0 =	simm.s32 @!p0 $0x0  }
0x12: {  	s1 =	sld [smem:$0x3F9B];
	s0 =	simm.s32 @p0 $0x1  }
0x13: {  	[smem:$0x3FB6] =	sst s0;
	s0 =	simm.s32 @!p1 $0x0  }
0x14: {  	s2 =	sld [smem:$0x3F9A];
	s0 =	simm.s32 @p1 $0x1  }
0x15: {  	[smem:$0x3FB7] =	sst s0;
	s0 =	simm.s32 @!p2 $0x0  }
0x16: {  	s3 =	sld [smem:$0x3FDB];
	s0 =	simm.s32 @p2 $0x1  }
0x17: {  	s4 =	simm.s32 $0x1BF5;
	[smem:$0x3FB9] =	sst s0  }
0x18: {  	s0 =	sld [smem:$0x3F9C];
	_ =	swait.ge [sflag:s4], $0x0  }
0x19: {  	s7 =	sld [smem:$0x3F9D]  }
0x1a: {  	s8 =	sadd.s32 $0xFFFFE003, lr  }
0x1b: {  	s9 =	sadd.s32 $0xFFFFFEF7, lr;
	s5 =	simm.s32 $0xFFFFFFFF;
	p2 =	slt.u32 s8, $0xFFFFF086  }
0x1c: {  	p1 =	slt.u32 s9, $0xF7A;
	s5 =	simm.s32 @!p2 $0x0  }
0x1d: {  	s5 =	simm.s32 @p1 $0x1;
	p0 =	seq.s32 s7, s2  }
0x1e: {  	s7 =	smul.u32 @!p0 $0xF7A, s2;
	p2 =	seq.s32 @!p0 s5, $0x0  }
0x1f: {  	s9 =	smul.u32 $0xF7A, s1;
	s8 =	simm.s32 @!p0 $0x1BF5;
	p2 =	por !p2, p0  }
0x20: {  	[sflag:s8] =	ssyncset.s32 @!p0 $0xFFFFF086;
	s6 =	sadd.s32 @!p0 s3, s7;
	s7 =	simm.s32 @!p0 $0x108  }
0x21: {  	s3 =	sadd.s32 s3, s9;
	s6 =	sadd.s32 @!p0 $0x88, s6;
	s7 =	simm.s32 @p2 $0x1082  }
0x22: {  	[simem:s7], [sflag:s8] =	dma.local @!p0 [hbm:s6], $0xF7A  }
0x23: {  	s9 =	sor.u32 $0xD0000000, s2;
	s6 =	simm.s32 $0x108;
	_ =	swait.ge @!p0 [sflag:s8], $0x0  }
0x24: {  	s3 =	sadd.s32 $0x88, s3;
	s6 =	simm.s32 @!p1 $0x1082;
	[sflag:s4] =	ssyncset.s32 $0xFFFFF086  }
0x25: {  	[simem:s6], [sflag:s4] =	dma.local [hbm:s3], $0xF7A  }
0x26: {  	[smem:$0x3F9D] =	sst s1;
	(tag) =	ssettag s2;
	_ =	strace s9  }
0x27: {  	s1 =	sld [smem:$0x3FAD]  }
0x28: {  	s2 =	sld [smem:$0x3FAE]  }
0x29: {  	s4 =	sld [smem:$0x3FB0]  }
0x2a: {  	p0 =	seq.s32 s5, $0x0;
	s5 =	sld [smem:$0x3FB1]  }
0x2b: {  	s6 =	sld [smem:$0x3FB2]  }
0x2c: {  	s7 =	sld [smem:$0x3FB3]  }
0x2d: {  	s3 =	simm.s32 $0x108;
	s8 =	sld [smem:$0x3FB4]  }
0x2e: {  	s3 =	simm.s32 @!p0 $0x1082;
	s9 =	sld [smem:$0x3FB5]  }
0x2f: {  	lr =	sadd.s32 s0, s3;
	s0 =	sld [smem:$0x3FAC]  }
0x30: {  	s3 =	sld [smem:$0x3FAF]  }
0x31: {  	[smem:$0x3FB8] =	sst s10  }
0x32: {  	s10 =	sld [smem:$0x3FB6];
	_ =	sdelay $0x3  }
0x33: {  	p0 =	seq.s32 s10, $0x1;
	s10 =	sld [smem:$0x3FB8];
	_ =	sdelay $0x3  }
0x34: {  	[smem:$0x3FB8] =	sst s10  }
0x35: {  	s10 =	sld [smem:$0x3FB7];
	_ =	sdelay $0x3  }
0x36: {  	p1 =	seq.s32 s10, $0x1;
	s10 =	sld [smem:$0x3FB8];
	_ =	sdelay $0x3  }
0x37: {  	[smem:$0x3FB8] =	sst s10  }
0x38: {  	s10 =	sld [smem:$0x3FB9]  }
0x39: {  	_ = 	snop;
	(pc) =	sbr.ind lr, $3  }
0x3a: {  	_ = 	snop  }
0x3b: {  	_ = 	snop  }
0x3c: {  	p2 =	seq.s32 s10, $0x1;
	s10 =	sld [smem:$0x3FB8]  }
0x3d: {  	_ =	shalt  }
0x3e: {  	_ =	shalt  }
0x3f: {  	_ =	shalt  }
0x40: {  	_ =	shalt  }
0x41: {  	_ =	shalt  }
0x42: {  	_ =	shalt  }
0x43: {  	_ =	shalt  }
0x44: {  	_ =	shalt  }
0x45: {  	_ =	shalt  }
0x46: {  	_ =	shalt  }
0x47: {  	_ =	shalt  }
0x48: {  	_ =	shalt  }
0x49: {  	_ =	shalt  }
0x4a: {  	_ =	shalt  }
0x4b: {  	_ =	shalt  }
0x4c: {  	_ =	shalt  }
0x4d: {  	_ =	shalt  }
0x4e: {  	_ =	shalt  }
0x4f: {  	_ =	shalt  }
0x50: {  	_ =	shalt  }
0x51: {  	_ =	shalt  }
0x52: {  	_ =	shalt  }
0x53: {  	_ =	shalt  }
0x54: {  	_ =	shalt  }
0x55: {  	_ =	shalt  }
0x56: {  	_ =	shalt  }
0x57: {  	_ =	shalt  }
0x58: {  	_ =	shalt  }
0x59: {  	_ =	shalt  }
0x5a: {  	_ =	shalt  }
0x5b: {  	_ =	shalt  }
0x5c: {  	_ =	shalt  }
0x5d: {  	_ =	shalt  }
0x5e: {  	_ =	shalt  }
0x5f: {  	_ =	shalt  }
0x60: {  	_ =	shalt  }
0x61: {  	_ =	shalt  }
0x62: {  	_ =	shalt  }
0x63: {  	_ =	shalt  }
0x64: {  	_ =	shalt  }
0x65: {  	_ =	shalt  }
0x66: {  	_ =	shalt  }
0x67: {  	_ =	shalt  }
0x68: {  	_ =	shalt  }
0x69: {  	_ =	shalt  }
0x6a: {  	_ =	shalt  }
0x6b: {  	_ =	shalt  }
0x6c: {  	_ =	shalt  }
0x6d: {  	_ =	shalt  }
0x6e: {  	_ =	shalt  }
0x6f: {  	_ =	shalt  }
0x70: {  	_ =	shalt  }
0x71: {  	_ =	shalt  }
0x72: {  	_ =	shalt  }
0x73: {  	_ =	shalt  }
0x74: {  	_ =	shalt  }
0x75: {  	_ =	shalt  }
0x76: {  	_ =	shalt  }
0x77: {  	_ =	shalt  }
0x78: {  	_ =	shalt  }
0x79: {  	_ =	shalt  }
0x7a: {  	_ =	shalt  }
0x7b: {  	_ =	shalt  }
0x7c: {  	_ =	shalt  }
0x7d: {  	_ =	shalt  }
0x7e: {  	_ =	shalt  }
0x7f: {  	_ =	shalt  }
0x80: {  	_ =	shalt  }
0x81: {  	_ =	shalt  }
0x82: {  	_ =	shalt  }
0x83: {  	_ =	shalt  }
0x84: {  	_ =	shalt  }
0x85: {  	_ =	shalt  }
0x86: {  	_ =	shalt  }
0x87: {  	_ =	shalt  }
.Lfunc_end0:
.L_simem_size_0:
called_computation.1_lowered:
.L_overlay_start_0:
0x88: {  	s2 =	sld [smem:$0x3FD9]  }
0x89: {  	s3 =	sld [smem:$0x3FFE];
	_ =	sdelay $0x1  }
0x8a: {  	s1 =	srdreg.scid  }
0x8b: {  	s0 =	sand.u32 $0x1, s1  }
0x8c: {  	s17 =	sshll.u32 s0, $0xA;
	s2 =	sadd.s32 s3, s2  }
0x8d: {  	s2 =	sadd.s32 s2, s17  }
0x8e: {  	[smem:$0x3FC4] =	sst s2  }
0x8f: {  	_ = 	snop  }
0x90: {  	s2 =	sld [smem:$0x3FD0];
	(tm) =	ssettm $0x1  }
0x91: {  	s18 =	sld [smem:$0x3FFB];
	_ =	sdelay $0x3  }
0x92: {  	_ =	strace s18  }
0x93: {  	s3 =	sld [smem:$0x3FFC];
	_ =	sdelay $0x3  }
0x94: {  	_ =	strace s3  }
0x95: {  	s3 =	sld [smem:$0x3FFD];
	_ =	sdelay $0x3  }
0x96: {  	_ =	strace s3  }
0x97: {  	_ =	strace $0x8FFFFFFF  }
0x98: {  	s19 =	sld [smem:$0x3FDB];
	_ =	sdelay $0x1  }
0x99: {  	s4 =	simm.s32 $_scs_section_size  }
0x9a: {  	s5 =	simm.s32 $_size__tile_overlayer_lowered;
	s6 =	simm.s32 $_tile_overlayer_lowered  }
0x9b: {  	s22 =	simm.s32 $0x1BFF;
	s21 =	sshll.u32 s6, $0x1;
	s3 =	sadd.s32 s4, s19  }
0x9c: {  	s7 =	simm.s32 $0x0;
	s20 =	sshll.u32 s5, $0x1;
	s5 =	sadd.s32 s21, s3  }
0x9d: {  	[timem:s7], [sflag:s22] =	dma.local [hbm:s5], s20  }
0x9e: {  	_ =	swait.ge [sflag:s22], s20  }
0x9f: {  	s4 =	ssub.s32 $0x0, s20;
	[sflag:s22] =	ssyncset.done $0x0  }
0xa0: {  	[sflag:s22] =	ssyncadd.s32 s4;
	_ =	sdelay $0x1  }
0xa1: {  	s23 =	simm.s32 $0x1B8B  }
0xa2: {  	_ =	swait.ge [sflag:s23], $0x1  }
0xa3: {  	[sflag:s23] =	ssyncset.done $0x0  }
0xa4: {  	s25 =	simm.s32 $0x1B8E;
	s24 =	sld [smem:$0x3FFE];
	[sflag:s23] =	ssyncadd.s32 $0xFFFFFFFF  }
0xa5: {  	s26 =	simm.s32 $execute0_lowered;
	[smem:$0x3FD2] =	sst s25  }
0xa6: {  	s5 =	sshll.u32 s26, $0x1;
	_ =	strace $0x80000049;
	[dreg:$0x1] =	wrdreg $0xFFFFFFFF  }
0xa7: {  	s28 =	simm.s32 $_size_execute0_lowered;
	s3 =	sadd.s32 s3, s5;
	[dreg:$0x0] =	wrdreg $0x0  }
0xa8: {  	s5 =	sshll.u32 s28, $0x1;
	[dreg:$0x2] =	wrdreg s3  }
0xa9: {  	[dreg:$0x3] =	wrdreg s5  }
0xaa: {  	[dreg:$0x4] =	wrdreg $0xC0  }
0xab: {  	_ =	task [dreg:s7], $0x5FFFF  }
0xac: {  	[dreg:$0x1] =	wrdreg $0xFFFFFFFF  }
0xad: {  	[dreg:$0x0] =	wrdreg $0x60  }
0xae: {  	[dreg:$0x2] =	wrdreg s2  }
0xaf: {  	[dreg:$0x3] =	wrdreg s24  }
0xb0: {  	[dreg:$0x4] =	wrdreg $0x90000  }
0xb1: {  	[dreg:$0x5] =	wrdreg $0x9  }
0xb2: {  	_ =	task.clear_ibuf [dreg:s7], $0x6FFFF;
	_ =	strace $0x90000049  }
0xb3: {  	s29 =	simm.s32 $0x9;
	_ =	strace $0x8000004B  }
0xb4: {  	_ =	swait.ge [sflag:s29], $0x1  }
0xb5: {  	[sflag:s29] =	ssyncadd.s32 $0xFFFFFFFF  }
0xb6: {  	_ =	strace $0x9000004B  }
0xb7: {  	_ =	sfence  }
0xb8: {  	s30 =	sld [smem:$0x0];
	_ =	sdelay $0x2  }
0xb9: {  	s31 =	sshll.u32 s1, $0xD;
	s1 =	sshrl.u32 s1, $0x2  }
0xba: {  	s3 =	sand.u32 $0x4000, s31;
	s1 =	sadd.s32 s1, s30  }
0xbb: {  	s0 =	sor.u32 s3, s0;
	s1 =	sshll.u32 s1, $0x11  }
0xbc: {  	s0 =	sor.u32 s1, s0  }
0xbd: {  	s0 =	sadd.s32 $0x8F2B, s0  }
0xbe: {  	[sflag:s0] =	ssyncadd.remote.s32 $0x1  }
0xbf: {  	_ =	sfence.sel $0xFFFF  }
0xc0: {  	[dreg:$0x0] =	wrdreg $0xFFFFFFFF;
	(pc) =	sbr.abs _section_cstart, $3  }
0xc1: {  	[dreg:$0x1] =	wrdreg $0xFFFFFFFF  }
0xc2: {  	_ =	task.clear_ibuf [dreg:s7], $0x2FFFF;
	_ =	strace $0x9FFFFFFF  }
0xc3: {  	(tm) =	ssettm $0x7FFFFFFF  }
tec
execute0_lowered:
.L_overlay_start_1:
0x0: {  	(tag) =	ssettag $0x1  }
0x1: {  	s1 =	rddreg [dreg:$0x0]  }
0x2: {  	s6 =	rddreg [dreg:$0x1]  }
0x3: {  	s0 =	srdreg.scid;
	s3 =	stileid.u32  }
0x4: {  	s2 =	rddreg [dreg:$0x2];
	s9 =	smul.u32 $0xA00, s3  }
0x5: {  	s4 =	simm.s32 $0x0;
	s12 =	simm.s32 $0x5000;
	s11 =	smul.u32 $0x50000, s3  }
0x6: {  	s7 =	sand.u32 $0x1, s0;
	s0 =	rddreg [dreg:$0x3];
	s15 =	smul.u32 $0x2800, s3  }
0x7: {  	s13 =	simm.s32 $0x1;
	[smem:$0x7FF] =	sst s4;
	s5 =	smul.u32 $0xA000, s7  }
0x8: {  	s31 =	sshll.u32 s3, $0x6;
	s8 =	smul.u32 $0x28000, s7;
	s29 =	ssub.s32 $0x2, s7  }
0x9: {  	_ =	strace $0x8000004A;
	s7 =	sshrl.u32 s29, $0x1;
	s30 =	sshrl.u32 s11, $0x2  }
0xa: {  	s11 =	simm.s32 $0x80;
	s10 =	sadd.s32 s5, s6;
	s5 =	sadd.s32 $0x16600, s6  }
0xb: {  	s8 =	sadd.s32 s8, s6;
	s7 =	ssub.s32 s29, s7;
	s9 =	sadd.s32 s9, s10  }
0xc: {  	s10 =	sadd.s32 s30, s2;
	s14 =	sadd.s32 $0x18E00, s8;
	s7 =	smax.u32 s7, $0x1  }
0xd: {  	s8 =	simm.s32 $0x2;
	s6 =	sadd.s32 $0x2600, s9;
	s9 =	sor.u32 $0x1C02, s31  }
0xe: {  	s10 =	sshrl.u32 s10, $0x3;
	s14 =	sadd.s32 s15, s14;
	s15 =	simm.s32 $0x0  }
.LBB2_1:
0xf: {  	[tilespmem:s4], [sflag:$0x2] =	stream.linear.gather [hbm4b:s6+s4], $0x5000, $0x38;
	[tilespmem:$0x1D000] =	vst v63  }
0x10: {  	_ =	swait.ge [sflag:s8], $0x5000  }
0x11: {  	[sflag:s8] =	ssyncset.done $0x0  }
0x12: {  	[sflag:s8] =	ssyncadd.s32 $0xFFFFB000  }
0x13: {  	[spmem:s10], [sflag:s9] =	dma.local [hbm:s5], $0x2800  }
0x14: {  	_ =	swait.ge [sflag:s8], $0x2800  }
0x15: {  	[sflag:s8] =	ssyncset.done $0x0  }
0x16: {  	[sflag:s8] =	ssyncadd.s32 $0xFFFFD800  }
0x17: {  	s16 =	simm.s32 $0x0;
	[bflag:$0x0] =	sbarrier.arrive $0xFFFF  }
0x18: {  	[tilespmem:s12], [sflag:$0x1] =	stream.indirect.gather [hbm4b:s1+s11], $0x80, s16, s11, $0xb8;
	[tilespmem:$0x1D000] =	vst v63  }
0x19: {  	_ =	swait.ge [sflag:s13], $0x4000  }
0x1a: {  	[sflag:s13] =	ssyncset.done $0x0  }
0x1b: {  	s31 =	simm.s32 $0x2800;
	[sflag:s13] =	ssyncadd.s32 $0xFFFFC000  }
0x1c: {  	[spmem:s2] =	stream.indirect.scatter.add.f32 [tilespmem:s12], [sflag:$0x2], $0x80, s31, s11, $0xb8;
	[tilespmem:$0x1D000] =	vst v63  }
0x1d: {  	_ =	swait.ge [sflag:s8], $0x4000  }
0x1e: {  	s17 =	simm.s32 $0x400;
	s16 =	simm.s32 $0x200;
	[sflag:s8] =	ssyncset.done $0x0  }
.LBB2_2:
0x1f: {  	s18 =	sshra.s32 s16, $0x2  }
0x20: {  	[sflag:s8] =	ssyncadd.s32 $0xFFFFC000;
	s16 =	smov.u32 s17;
	s19 =	sadd.s32 $0x200, s17  }
0x21: {  	[tilespmem:s12], [sflag:$0x1] =	stream.indirect.gather [hbm4b:s1+s11], $0x80, s18, s11, $0xb8;
	[tilespmem:$0x1D000] =	vst v63  }
0x22: {  	p0 =	sne.s32 s17, $0x9E00;
	_ =	swait.ge [sflag:s13], $0x4000  }
.Ltmp0:
0x23: {  	[sflag:s13] =	ssyncset.done $0x0;
	(pc) =	sbr.rel @p0 .LBB2_2-.Ltmp0, $4  }
0x24: {  	s17 =	sadd.s32 $0x2800, s18;
	[sflag:s13] =	ssyncadd.s32 $0xFFFFC000  }
0x25: {  	[spmem:s2] =	stream.indirect.scatter.add.f32 [tilespmem:s12], [sflag:$0x2], $0x80, s17, s11, $0xb8;
	[tilespmem:$0x1D000] =	vst v63  }
0x26: {  	_ =	swait.ge [sflag:s8], $0x4000  }
0x27: {  	s17 =	smov.u32 s19;
	[sflag:s8] =	ssyncset.done $0x0  }
0x28: {  	s16 =	sshra.s32 s16, $0x2;
	[sflag:s8] =	ssyncadd.s32 $0xFFFFC000  }
0x29: {  	[tilespmem:s12], [sflag:$0x1] =	stream.indirect.gather [hbm4b:s1+s11], $0x80, s16, s11, $0xb8;
	[tilespmem:$0x1D000] =	vst v63  }
0x2a: {  	_ =	swait.ge [sflag:s13], $0x4000  }
0x2b: {  	[sflag:s13] =	ssyncset.done $0x0  }
0x2c: {  	s16 =	sadd.s32 $0x2800, s16;
	[sflag:s13] =	ssyncadd.s32 $0xFFFFC000  }
0x2d: {  	[spmem:s2] =	stream.indirect.scatter.add.f32 [tilespmem:s12], [sflag:$0x2], $0x80, s16, s11, $0xb8;
	[tilespmem:$0x1D000] =	vst v63  }
0x2e: {  	_ =	swait.ge [sflag:s8], $0x4000  }
0x2f: {  	[sflag:s8] =	ssyncset.done $0x0  }
0x30: {  	s15 =	sadd.s32 $0x1, s15;
	[sflag:s8] =	ssyncadd.s32 $0xFFFFC000  }
0x31: {  	p0 =	sne.s32 s15, s7;
	[bflag:$0x0] =	sbarrier.arrive $0xFFFF  }
0x32: {  	[hbm:s14], [sflag:s9] =	dma.local [spmem:s10], $0x2800  }
.Ltmp1:
0x33: {  	_ =	swait.ge [sflag:s8], $0x2800;
	(pc) =	sbr.rel @p0 .LBB2_1-.Ltmp1, $3  }
0x34: {  	[sflag:s8] =	ssyncset.done $0x0  }
0x35: {  	[sflag:s8] =	ssyncadd.s32 $0xFFFFD800  }
0x36: {  	[bflag:$0x0] =	sbarrier.arrive $0xFFFF;
	_ =	sdelay $0x1  }
0x37: {  	_ =	sfence.sel $0x180000  }
0x38: {  	[bflag:$0x0] =	sbarrier.arrive $0xFFFF  }
0x39: {  	p0 =	sne.s32 s3, $0x0;
	_ =	strace $0x9000004A  }
0x3a: {  	s0 =	sadd.s32 @!p0 $0x100000, s0;
	[bflag:$0x2] =	sbarrier.arrive $0xFFFF  }
0x3b: {  	[sflag:s0] =	ssyncadd.tile.s32 @!p0 $0x1;
	_ =	shalt  }
.Lfunc_end2:
_tile_overlayer_lowered:
.L_overlay_start_2:
0x3c: {  	(tag) =	ssettag $0x2  }
0x3d: {  	s0 =	rddreg [dreg:$0x0];
	s2 =	stileid.u32  }
0x3e: {  	s1 =	rddreg [dreg:$0x1];
	p0 =	sne.s32 s2, $0x0  }
0x3f: {  	s3 =	rddreg [dreg:$0x2];
	[bflag:$0x3] =	sbarrier.arrive $0xFFFF;
	s2 =	simm.s32 @!p0 $0x1C02  }
0x40: {  	[timem:s3], [sflag:s2] =	dma.local @!p0 [hbm:s0], s1  }
0x41: {  	s0 =	simm.s32 @!p0 $0x2  }
0x42: {  	_ =	swait.ge @!p0 [sflag:s0], s1  }
0x43: {  	s1 =	ssub.s32 @!p0 $0x0, s1;
	[sflag:s0] =	ssyncset.done @!p0 $0x0  }
0x44: {  	[sflag:s0] =	ssyncadd.s32 @!p0 s1  }
0x45: {  	[bflag:$0x3] =	sbarrier.arrive $0xFFFF  }
0x46: {  	_ =	shalt  }

</sc_bundles>
